<compile_context>
chip_gen: v7x
topology: tpu7x:2x2x1
jax: 0.10.2.dev20260603
libtpu: 0.0.44.dev20260713+nightly
codegen_flags: <defaults>
</compile_context>

<pallas_src>
import jax
import jax.numpy as jnp
from jax import lax
from jax.experimental import pallas as pl
from jax.experimental.pallas import tpu as pltpu
from jax.experimental.pallas import tpu_sc as plsc

N = 10000
E = 320000
D = 128
ED = 16

NC = 2
NS = 16
NW = NC * NS
EPW = E // NW
B = 80
NB = EPW // B
NP = 10240
RPT = NP // NS



def _edge_proj_body(ea_ref, we_ref, be_ref, out_ref):
    out_ref[...] = (
        jnp.dot(ea_ref[...], we_ref[...], preferred_element_type=jnp.float32)
        + be_ref[...]
    )


def _edge_proj(edge_attr, We, be):
    BE = 4000
    return pl.pallas_call(
        _edge_proj_body,
        grid=(E // BE,),
        in_specs=[
            pl.BlockSpec((BE, ED), lambda i: (i, 0)),
            pl.BlockSpec((ED, D), lambda i: (0, 0)),
            pl.BlockSpec((1, D), lambda i: (0, 0)),
        ],
        out_specs=pl.BlockSpec((BE, D), lambda i: (i, 0)),
        out_shape=jax.ShapeDtypeStruct((E, D), jnp.float32),
    )(edge_attr, We, be.reshape(1, D))



def _sc_agg_body(x_hbm, e_hbm, src_hbm, dst_hbm, zero_hbm, out_hbm,
                 srcv, dstv, ev, xv, accum, sem):
    c = lax.axis_index("c")
    s = lax.axis_index("s")
    wid = c * NS + s

    pltpu.sync_copy(zero_hbm, accum.at[pl.ds(s * RPT, RPT)])
    plsc.subcore_barrier()

    ebase = pl.multiple_of(wid * EPW, 16)

    def block(j, carry):
        base = pl.multiple_of(ebase + j * B, 16)
        pltpu.sync_copy(src_hbm.at[pl.ds(base, B)], srcv)
        pltpu.sync_copy(dst_hbm.at[pl.ds(base, B)], dstv)
        pltpu.sync_copy(e_hbm.at[pl.ds(base, B)], ev)
        pltpu.async_copy(x_hbm.at[srcv], xv, sem).wait()

        def edge(i, c2):
            for k in range(8):
                sl = pl.ds(k * 16, 16)
                ev[i, sl] = jnp.maximum(xv[i, sl] + ev[i, sl], 0.0)
            return c2

        lax.fori_loop(0, B, edge, 0, unroll=2)
        pltpu.sync_copy(ev, accum.at[dstv], add=True)
        return carry

    lax.fori_loop(0, NB, block, 0)
    plsc.subcore_barrier()
    pltpu.sync_copy(accum.at[pl.ds(s * RPT, RPT)],
                    out_hbm.at[c, pl.ds(s * RPT, RPT)])


def _sc_aggregate(x, e, src, dst, zeros):
    mesh = plsc.VectorSubcoreMesh(core_axis_name="c", subcore_axis_name="s")
    f = pl.kernel(
        _sc_agg_body,
        out_type=jax.ShapeDtypeStruct((NC, NP, D), jnp.float32),
        mesh=mesh,
        scratch_types=[
            pltpu.VMEM((B,), jnp.int32),
            pltpu.VMEM((B,), jnp.int32),
            pltpu.VMEM((B, D), jnp.float32),
            pltpu.VMEM((B, D), jnp.float32),
            pltpu.VMEM_SHARED((NP, D), jnp.float32),
            pltpu.SemaphoreType.DMA,
        ],
    )
    return f(x, e, src, dst, zeros)



def _node_body(x_ref, a0_ref, a1_ref, w_ref, b_ref, out_ref):
    t = x_ref[...] + a0_ref[...] + a1_ref[...]
    out_ref[...] = jnp.maximum(
        jnp.dot(t, w_ref[...], preferred_element_type=jnp.float32) + b_ref[...],
        0.0,
    )


def _node_final_body(x_ref, a0_ref, a1_ref, w_ref, b_ref, wl_ref, bl_ref, out_ref):
    t = x_ref[...] + a0_ref[...] + a1_ref[...]
    h = jnp.maximum(
        jnp.dot(t, w_ref[...], preferred_element_type=jnp.float32) + b_ref[...],
        0.0,
    )
    out_ref[...] = (
        jnp.dot(h, wl_ref[...], preferred_element_type=jnp.float32) + bl_ref[...]
    )


_BN = 2000


def _node_mlp(x, a0, a1, W, b):
    return pl.pallas_call(
        _node_body,
        grid=(N // _BN,),
        in_specs=[
            pl.BlockSpec((_BN, D), lambda i: (i, 0)),
            pl.BlockSpec((_BN, D), lambda i: (i, 0)),
            pl.BlockSpec((_BN, D), lambda i: (i, 0)),
            pl.BlockSpec((D, D), lambda i: (0, 0)),
            pl.BlockSpec((1, D), lambda i: (0, 0)),
        ],
        out_specs=pl.BlockSpec((_BN, D), lambda i: (i, 0)),
        out_shape=jax.ShapeDtypeStruct((N, D), jnp.float32),
    )(x, a0, a1, W, b.reshape(1, D))


def _node_final(x, a0, a1, W, b, Wl, bl):
    return pl.pallas_call(
        _node_final_body,
        grid=(N // _BN,),
        in_specs=[
            pl.BlockSpec((_BN, D), lambda i: (i, 0)),
            pl.BlockSpec((_BN, D), lambda i: (i, 0)),
            pl.BlockSpec((_BN, D), lambda i: (i, 0)),
            pl.BlockSpec((D, D), lambda i: (0, 0)),
            pl.BlockSpec((1, D), lambda i: (0, 0)),
            pl.BlockSpec((D, D), lambda i: (0, 0)),
            pl.BlockSpec((1, D), lambda i: (0, 0)),
        ],
        out_specs=pl.BlockSpec((_BN, D), lambda i: (i, 0)),
        out_shape=jax.ShapeDtypeStruct((N, D), jnp.float32),
    )(x, a0, a1, W, b.reshape(1, D), Wl, bl.reshape(1, D))



def kernel(x, edge_index, edge_attr, We1, be1, W1, b1, We2, be2, W2, b2,
           We3, be3, W3, b3, Wl, bl):
    src = edge_index[0]
    dst = edge_index[1]
    zeros = jnp.zeros((RPT, D), jnp.float32)

    e = _edge_proj(edge_attr, We1, be1)
    a = _sc_aggregate(x, e, src, dst, zeros)
    h = _node_mlp(x, a[0], a[1], W1, b1)

    e = _edge_proj(edge_attr, We2, be2)
    a = _sc_aggregate(h, e, src, dst, zeros)
    h = _node_mlp(h, a[0], a[1], W2, b2)

    e = _edge_proj(edge_attr, We3, be3)
    a = _sc_aggregate(h, e, src, dst, zeros)
    return _node_final(h, a[0], a[1], W3, b3, Wl, bl)

# --- scband reference (transcript-rebuilt; emitter-appended) ---
"""Pipeline reference for scband-gin-3layer-node-ea-27565100106142 (READ-ONLY COPY).

The authoritative reference and input builder live on the scoring server;
editing this copy changes nothing except your own understanding.
"""

import jax, jax.numpy as jnp
import numpy as np

N = 10000
E = 320000
D = 128
ED = 16


def _glorot(key, shape):
    fan_in = shape[0]
    return jax.random.normal(key, shape, dtype=jnp.float32) * (1.0 / np.sqrt(fan_in))


def setup_inputs(seed: int = 0) -> dict:
    key = jax.random.key(seed)
    ks = jax.random.split(key, 20)
    inp = {}
    inp["x"] = jax.random.normal(ks[0], (N, D), dtype=jnp.float32)
    inp["edge_index"] = jax.random.randint(ks[1], (2, E), 0, N, dtype=jnp.int32)
    inp["edge_attr"] = jax.random.normal(ks[2], (E, ED), dtype=jnp.float32)
    # GINEConv edge projections (edge_dim -> in_channels) and MLPs (Linear in->hidden)
    inp["We1"] = _glorot(ks[3], (ED, D)); inp["be1"] = jnp.zeros((D,), jnp.float32)
    inp["W1"] = _glorot(ks[4], (D, D)); inp["b1"] = jnp.zeros((D,), jnp.float32)
    inp["We2"] = _glorot(ks[5], (ED, D)); inp["be2"] = jnp.zeros((D,), jnp.float32)
    inp["W2"] = _glorot(ks[6], (D, D)); inp["b2"] = jnp.zeros((D,), jnp.float32)
    inp["We3"] = _glorot(ks[7], (ED, D)); inp["be3"] = jnp.zeros((D,), jnp.float32)
    inp["W3"] = _glorot(ks[8], (D, D)); inp["b3"] = jnp.zeros((D,), jnp.float32)
    inp["Wl"] = _glorot(ks[9], (D, D)); inp["bl"] = jnp.zeros((D,), jnp.float32)
    return inp


def _gine_conv(x, edge_index, edge_attr, We, be, W, b, eps=0.0):
    # PyG GINEConv: message = relu(x_j + lin_edge(edge_attr)); aggr=sum at target i;
    # out = nn((1+eps)*x_i + aggr)
    src = edge_index[0]
    dst = edge_index[1]
    e = edge_attr @ We + be                      # [E, D] edge projection
    m = jax.nn.relu(x[src] + e)                  # gather + message
    aggr = jnp.zeros_like(x).at[dst].add(m)      # scatter-add
    return ((1.0 + eps) * x + aggr) @ W + b


def reference(x, edge_index, edge_attr, We1, be1, W1, b1, We2, be2, W2, b2, We3, be3, W3, b3, Wl, bl):
    h = jax.nn.relu(_gine_conv(x, edge_index, edge_attr, We1, be1, W1, b1))
    h = jax.nn.relu(_gine_conv(h, edge_index, edge_attr, We2, be2, W2, b2))
    h = jax.nn.relu(_gine_conv(h, edge_index, edge_attr, We3, be3, W3, b3))
    return h @ Wl + bl

if __name__ == "__main__":
    import jax
    _d = setup_inputs()
    print(jax.jit(kernel)(*tuple(_d.values())))

</pallas_src>

<mosaic_0001>
#map = affine_map<(d0, d1) -> (0, 0)>
#map1 = affine_map<(d0, d1) -> (0)>
#map2 = affine_map<(d0, d1) -> (0, 0, 0)>
module attributes {stable_mosaic.version = 14 : i64} {
  func.func @_sc_agg_body(%arg0: i32, %arg1: i32, %arg2: memref<10000x128xf32, #tpu.memory_space<hbm>>, %arg3: memref<320000x128xf32, #tpu.memory_space<hbm>>, %arg4: memref<320000xi32, #tpu.memory_space<hbm>>, %arg5: memref<320000xi32, #tpu.memory_space<hbm>>, %arg6: memref<640x128xf32, #tpu.memory_space<hbm>>, %arg7: memref<2x10240x128xf32, #tpu.memory_space<hbm>>, %arg8: memref<80xi32, #tpu.memory_space<vmem>>, %arg9: memref<80xi32, #tpu.memory_space<vmem>>, %arg10: memref<80x128xf32, #tpu.memory_space<vmem>>, %arg11: memref<80x128xf32, #tpu.memory_space<vmem>>, %arg12: memref<10240x128xf32, #tpu.memory_space<vmem_shared>>, %arg13: memref<!tpu.dma_semaphore, #tpu.memory_space<semaphore_mem>>) attributes {dimension_semantics = [#tpu.dimension_semantics<core_parallel>, #tpu.dimension_semantics<subcore_parallel>], iteration_bounds = array<i64: 2, 16>, scalar_prefetch = 0 : i64, scratch_operands = 6 : i64, tpu.core_type = #tpu.core_type<sc_vector_subcore>, window_params = [{transform_indices = #map}, {transform_indices = #map}, {transform_indices = #map1}, {transform_indices = #map1}, {transform_indices = #map}, {transform_indices = #map2}]} {
    %mul3A = arith.constant 16 : i32
    %mul3A_0 = arith.muli %arg0, %mul3A : i32
    %add3A = arith.addi %mul3A_0, %arg1 : i32
    %mul3A_1 = arith.constant 640 : i32
    %mul3A_2 = arith.muli %arg1, %mul3A_1 : i32
    "tpu.region"() ({
      %run_scoped3A = tpu.sem_alloc : memref<!tpu.dma_semaphore, #tpu.memory_space<semaphore_mem>>
      %dma_start3A = arith.constant 0 : i32
      %dma_start3A_15 = tpu.memref_slice %arg12[%mul3A_2, %dma_start3A] : memref<10240x128xf32, #tpu.memory_space<vmem_shared>> -> memref<640x128xf32, #tpu.memory_space<vmem_shared>>
      tpu.enqueue_dma source(%arg6 : memref<640x128xf32, #tpu.memory_space<hbm>>) target(%dma_start3A_15 : memref<640x128xf32, #tpu.memory_space<vmem_shared>>) target_semaphore(%run_scoped3A : memref<!tpu.dma_semaphore, #tpu.memory_space<semaphore_mem>>)
      %dma_wait3A = arith.constant 0 : i32
      %dma_wait3A_16 = tpu.memref_slice %arg12[%mul3A_2, %dma_wait3A] : memref<10240x128xf32, #tpu.memory_space<vmem_shared>> -> memref<640x128xf32, #tpu.memory_space<vmem_shared>>
      tpu.wait_dma2 semaphore(%run_scoped3A : memref<!tpu.dma_semaphore, #tpu.memory_space<semaphore_mem>>) src(%arg6 : memref<640x128xf32, #tpu.memory_space<hbm>>) dst(%dma_wait3A_16 : memref<640x128xf32, #tpu.memory_space<vmem_shared>>)
      tpu.yield
    }) : () -> ()
    %barrier3A = arith.constant 0 : index
    tpu.barrier barrier_id(%barrier3A)
    %mul3A_3 = arith.constant 10000 : i32
    %mul3A_4 = arith.muli %add3A, %mul3A_3 : i32
    %multiple_of3A = tpu.assume_multiple %mul3A_4, 16 : i32
    %scan3A = arith.constant 0 : i32
    %scan3A_5 = arith.constant 0 : i32
    %scan3A_6 = arith.constant 125 : i32
    %scan3A_7 = arith.addi %scan3A_5, %scan3A_6 : i32
    %scan3A_8 = arith.constant 1 : i32
    scf.for %scan3A_15 = %scan3A_5 to %scan3A_7 step %scan3A_8  : i32 {
      %mul3A_16 = arith.constant 80 : i32
      %mul3A_17 = arith.muli %scan3A_15, %mul3A_16 : i32
      %add3A_18 = arith.addi %multiple_of3A, %mul3A_17 : i32
      %multiple_of3A_19 = tpu.assume_multiple %add3A_18, 16 : i32
      "tpu.region"() ({
        %run_scoped3A = tpu.sem_alloc : memref<!tpu.dma_semaphore, #tpu.memory_space<semaphore_mem>>
        %dma_start3A_30 = tpu.memref_slice %arg4[%multiple_of3A_19] : memref<320000xi32, #tpu.memory_space<hbm>> -> memref<80xi32, #tpu.memory_space<hbm>>
        %dma_start3A_31 = tpu.memref_slice %arg4[%multiple_of3A_19] : memref<320000xi32, #tpu.memory_space<hbm>> -> memref<80xi32, #tpu.memory_space<hbm>>
        tpu.enqueue_dma source(%dma_start3A_31 : memref<80xi32, #tpu.memory_space<hbm>>) target(%arg8 : memref<80xi32, #tpu.memory_space<vmem>>) target_semaphore(%run_scoped3A : memref<!tpu.dma_semaphore, #tpu.memory_space<semaphore_mem>>)
        %dma_wait3A_32 = tpu.memref_slice %arg4[%multiple_of3A_19] : memref<320000xi32, #tpu.memory_space<hbm>> -> memref<80xi32, #tpu.memory_space<hbm>>
        %dma_wait3A_33 = tpu.memref_slice %arg4[%multiple_of3A_19] : memref<320000xi32, #tpu.memory_space<hbm>> -> memref<80xi32, #tpu.memory_space<hbm>>
        tpu.wait_dma2 semaphore(%run_scoped3A : memref<!tpu.dma_semaphore, #tpu.memory_space<semaphore_mem>>) src(%dma_wait3A_33 : memref<80xi32, #tpu.memory_space<hbm>>) dst(%arg8 : memref<80xi32, #tpu.memory_space<vmem>>)
        tpu.yield
      }) : () -> ()
      "tpu.region"() ({
        %run_scoped3A = tpu.sem_alloc : memref<!tpu.dma_semaphore, #tpu.memory_space<semaphore_mem>>
        %dma_start3A_30 = tpu.memref_slice %arg5[%multiple_of3A_19] : memref<320000xi32, #tpu.memory_space<hbm>> -> memref<80xi32, #tpu.memory_space<hbm>>
        %dma_start3A_31 = tpu.memref_slice %arg5[%multiple_of3A_19] : memref<320000xi32, #tpu.memory_space<hbm>> -> memref<80xi32, #tpu.memory_space<hbm>>
        tpu.enqueue_dma source(%dma_start3A_31 : memref<80xi32, #tpu.memory_space<hbm>>) target(%arg9 : memref<80xi32, #tpu.memory_space<vmem>>) target_semaphore(%run_scoped3A : memref<!tpu.dma_semaphore, #tpu.memory_space<semaphore_mem>>)
        %dma_wait3A_32 = tpu.memref_slice %arg5[%multiple_of3A_19] : memref<320000xi32, #tpu.memory_space<hbm>> -> memref<80xi32, #tpu.memory_space<hbm>>
        %dma_wait3A_33 = tpu.memref_slice %arg5[%multiple_of3A_19] : memref<320000xi32, #tpu.memory_space<hbm>> -> memref<80xi32, #tpu.memory_space<hbm>>
        tpu.wait_dma2 semaphore(%run_scoped3A : memref<!tpu.dma_semaphore, #tpu.memory_space<semaphore_mem>>) src(%dma_wait3A_33 : memref<80xi32, #tpu.memory_space<hbm>>) dst(%arg9 : memref<80xi32, #tpu.memory_space<vmem>>)
        tpu.yield
      }) : () -> ()
      "tpu.region"() ({
        %run_scoped3A = tpu.sem_alloc : memref<!tpu.dma_semaphore, #tpu.memory_space<semaphore_mem>>
        %dma_start3A_30 = arith.constant 0 : i32
        %dma_start3A_31 = tpu.memref_slice %arg3[%multiple_of3A_19, %dma_start3A_30] : memref<320000x128xf32, #tpu.memory_space<hbm>> -> memref<80x128xf32, #tpu.memory_space<hbm>>
        %dma_start3A_32 = arith.constant 0 : i32
        %dma_start3A_33 = tpu.memref_slice %arg3[%multiple_of3A_19, %dma_start3A_32] : memref<320000x128xf32, #tpu.memory_space<hbm>> -> memref<80x128xf32, #tpu.memory_space<hbm>>
        tpu.enqueue_dma source(%dma_start3A_33 : memref<80x128xf32, #tpu.memory_space<hbm>>) target(%arg10 : memref<80x128xf32, #tpu.memory_space<vmem>>) target_semaphore(%run_scoped3A : memref<!tpu.dma_semaphore, #tpu.memory_space<semaphore_mem>>)
        %dma_wait3A_34 = arith.constant 0 : i32
        %dma_wait3A_35 = tpu.memref_slice %arg3[%multiple_of3A_19, %dma_wait3A_34] : memref<320000x128xf32, #tpu.memory_space<hbm>> -> memref<80x128xf32, #tpu.memory_space<hbm>>
        %dma_wait3A_36 = arith.constant 0 : i32
        %dma_wait3A_37 = tpu.memref_slice %arg3[%multiple_of3A_19, %dma_wait3A_36] : memref<320000x128xf32, #tpu.memory_space<hbm>> -> memref<80x128xf32, #tpu.memory_space<hbm>>
        tpu.wait_dma2 semaphore(%run_scoped3A : memref<!tpu.dma_semaphore, #tpu.memory_space<semaphore_mem>>) src(%dma_wait3A_37 : memref<80x128xf32, #tpu.memory_space<hbm>>) dst(%arg10 : memref<80x128xf32, #tpu.memory_space<vmem>>)
        tpu.yield
      }) : () -> ()
      %dma_start3A = arith.constant 0 : i32
      %dma_start3A_20 = arith.constant 0 : i32
      %dma_start3A_21 = tpu.memref_slice %arg2[%dma_start3A, %dma_start3A_20] : memref<10000x128xf32, #tpu.memory_space<hbm>> -> memref<10000x128xf32, #tpu.memory_space<hbm>>
      tpu.enqueue_indirect_dma source(%dma_start3A_21 : memref<10000x128xf32, #tpu.memory_space<hbm>>) target(%arg11 : memref<80x128xf32, #tpu.memory_space<vmem>>) offsets(%arg8 : memref<80xi32, #tpu.memory_space<vmem>>) semaphore(%arg13 : memref<!tpu.dma_semaphore, #tpu.memory_space<semaphore_mem>>)
      %dma_wait3A = arith.constant 0 : i32
      %dma_wait3A_22 = arith.constant 0 : i32
      %dma_wait3A_23 = tpu.memref_slice %arg2[%dma_wait3A, %dma_wait3A_22] : memref<10000x128xf32, #tpu.memory_space<hbm>> -> memref<10000x128xf32, #tpu.memory_space<hbm>>
      tpu.wait_indirect_dma semaphore(%arg13 : memref<!tpu.dma_semaphore, #tpu.memory_space<semaphore_mem>>) src(%dma_wait3A_23 : memref<10000x128xf32, #tpu.memory_space<hbm>>) dst(%arg11 : memref<80x128xf32, #tpu.memory_space<vmem>>)
      %scan3A_24 = arith.constant 0 : i32
      %scan3A_25 = arith.constant 0 : i32
      %scan3A_26 = arith.constant 80 : i32
      %scan3A_27 = arith.addi %scan3A_25, %scan3A_26 : i32
      %scan3A_28 = arith.constant 2 : i32
      scf.for %scan3A_30 = %scan3A_25 to %scan3A_27 step %scan3A_28  : i32 {
        %get3A = arith.index_cast %scan3A_30 : i32 to index
        %get3A_31 = arith.constant 0 : index
        %get3A_32 = tpu.vector_load %arg11[%get3A, %get3A_31] {strides = array<i32>} : memref<80x128xf32, #tpu.memory_space<vmem>>, vector<1x16xf32>,
        %get3A_33 = vector.shape_cast %get3A_32 : vector<1x16xf32> to vector<16xf32>
        %get3A_34 = arith.index_cast %scan3A_30 : i32 to index
        %get3A_35 = arith.constant 0 : index
        %get3A_36 = tpu.vector_load %arg10[%get3A_34, %get3A_35] {strides = array<i32>} : memref<80x128xf32, #tpu.memory_space<vmem>>, vector<1x16xf32>,
        %get3A_37 = vector.shape_cast %get3A_36 : vector<1x16xf32> to vector<16xf32>
        %add3A_38 = arith.addf %get3A_33, %get3A_37 : vector<16xf32>
        %max3A = arith.constant 0.000000e+00 : f32
        %max3A_39 = vector.broadcast %max3A : f32 to vector<16xf32>
        %max3A_40 = arith.maximumf %add3A_38, %max3A_39 : vector<16xf32>
        %swap3A = arith.index_cast %scan3A_30 : i32 to index
        %swap3A_41 = arith.constant 0 : index
        %swap3A_42 = tpu.vector_load %arg10[%swap3A, %swap3A_41] {strides = array<i32>} : memref<80x128xf32, #tpu.memory_space<vmem>>, vector<1x16xf32>,
        %swap3A_43 = vector.shape_cast %swap3A_42 : vector<1x16xf32> to vector<16xf32>
        %swap3A_44 = vector.shape_cast %max3A_40 : vector<16xf32> to vector<1x16xf32>
        tpu.vector_store %arg10[%swap3A, %swap3A_41], %swap3A_44 {strides = array<i32>} : memref<80x128xf32, #tpu.memory_space<vmem>>, vector<1x16xf32>,
        %get3A_45 = arith.index_cast %scan3A_30 : i32 to index
        %get3A_46 = arith.constant 16 : index
        %get3A_47 = tpu.vector_load %arg11[%get3A_45, %get3A_46] {strides = array<i32>} : memref<80x128xf32, #tpu.memory_space<vmem>>, vector<1x16xf32>,
        %get3A_48 = vector.shape_cast %get3A_47 : vector<1x16xf32> to vector<16xf32>
        %get3A_49 = arith.index_cast %scan3A_30 : i32 to index
        %get3A_50 = arith.constant 16 : index
        %get3A_51 = tpu.vector_load %arg10[%get3A_49, %get3A_50] {strides = array<i32>} : memref<80x128xf32, #tpu.memory_space<vmem>>, vector<1x16xf32>,
        %get3A_52 = vector.shape_cast %get3A_51 : vector<1x16xf32> to vector<16xf32>
        %add3A_53 = arith.addf %get3A_48, %get3A_52 : vector<16xf32>
        %max3A_54 = arith.constant 0.000000e+00 : f32
        %max3A_55 = vector.broadcast %max3A_54 : f32 to vector<16xf32>
        %max3A_56 = arith.maximumf %add3A_53, %max3A_55 : vector<16xf32>
        %swap3A_57 = arith.index_cast %scan3A_30 : i32 to index
        %swap3A_58 = arith.constant 16 : index
        %swap3A_59 = tpu.vector_load %arg10[%swap3A_57, %swap3A_58] {strides = array<i32>} : memref<80x128xf32, #tpu.memory_space<vmem>>, vector<1x16xf32>,
        %swap3A_60 = vector.shape_cast %swap3A_59 : vector<1x16xf32> to vector<16xf32>
        %swap3A_61 = vector.shape_cast %max3A_56 : vector<16xf32> to vector<1x16xf32>
        tpu.vector_store %arg10[%swap3A_57, %swap3A_58], %swap3A_61 {strides = array<i32>} : memref<80x128xf32, #tpu.memory_space<vmem>>, vector<1x16xf32>,
        %get3A_62 = arith.index_cast %scan3A_30 : i32 to index
        %get3A_63 = arith.constant 32 : index
        %get3A_64 = tpu.vector_load %arg11[%get3A_62, %get3A_63] {strides = array<i32>} : memref<80x128xf32, #tpu.memory_space<vmem>>, vector<1x16xf32>,
        %get3A_65 = vector.shape_cast %get3A_64 : vector<1x16xf32> to vector<16xf32>
        %get3A_66 = arith.index_cast %scan3A_30 : i32 to index
        %get3A_67 = arith.constant 32 : index
        %get3A_68 = tpu.vector_load %arg10[%get3A_66, %get3A_67] {strides = array<i32>} : memref<80x128xf32, #tpu.memory_space<vmem>>, vector<1x16xf32>,
        %get3A_69 = vector.shape_cast %get3A_68 : vector<1x16xf32> to vector<16xf32>
        %add3A_70 = arith.addf %get3A_65, %get3A_69 : vector<16xf32>
        %max3A_71 = arith.constant 0.000000e+00 : f32
        %max3A_72 = vector.broadcast %max3A_71 : f32 to vector<16xf32>
        %max3A_73 = arith.maximumf %add3A_70, %max3A_72 : vector<16xf32>
        %swap3A_74 = arith.index_cast %scan3A_30 : i32 to index
        %swap3A_75 = arith.constant 32 : index
        %swap3A_76 = tpu.vector_load %arg10[%swap3A_74, %swap3A_75] {strides = array<i32>} : memref<80x128xf32, #tpu.memory_space<vmem>>, vector<1x16xf32>,
        %swap3A_77 = vector.shape_cast %swap3A_76 : vector<1x16xf32> to vector<16xf32>
        %swap3A_78 = vector.shape_cast %max3A_73 : vector<16xf32> to vector<1x16xf32>
        tpu.vector_store %arg10[%swap3A_74, %swap3A_75], %swap3A_78 {strides = array<i32>} : memref<80x128xf32, #tpu.memory_space<vmem>>, vector<1x16xf32>,
        %get3A_79 = arith.index_cast %scan3A_30 : i32 to index
        %get3A_80 = arith.constant 48 : index
        %get3A_81 = tpu.vector_load %arg11[%get3A_79, %get3A_80] {strides = array<i32>} : memref<80x128xf32, #tpu.memory_space<vmem>>, vector<1x16xf32>,
        %get3A_82 = vector.shape_cast %get3A_81 : vector<1x16xf32> to vector<16xf32>
        %get3A_83 = arith.index_cast %scan3A_30 : i32 to index
        %get3A_84 = arith.constant 48 : index
        %get3A_85 = tpu.vector_load %arg10[%get3A_83, %get3A_84] {strides = array<i32>} : memref<80x128xf32, #tpu.memory_space<vmem>>, vector<1x16xf32>,
        %get3A_86 = vector.shape_cast %get3A_85 : vector<1x16xf32> to vector<16xf32>
        %add3A_87 = arith.addf %get3A_82, %get3A_86 : vector<16xf32>
        %max3A_88 = arith.constant 0.000000e+00 : f32
        %max3A_89 = vector.broadcast %max3A_88 : f32 to vector<16xf32>
        %max3A_90 = arith.maximumf %add3A_87, %max3A_89 : vector<16xf32>
        %swap3A_91 = arith.index_cast %scan3A_30 : i32 to index
        %swap3A_92 = arith.constant 48 : index
        %swap3A_93 = tpu.vector_load %arg10[%swap3A_91, %swap3A_92] {strides = array<i32>} : memref<80x128xf32, #tpu.memory_space<vmem>>, vector<1x16xf32>,
        %swap3A_94 = vector.shape_cast %swap3A_93 : vector<1x16xf32> to vector<16xf32>
        %swap3A_95 = vector.shape_cast %max3A_90 : vector<16xf32> to vector<1x16xf32>
        tpu.vector_store %arg10[%swap3A_91, %swap3A_92], %swap3A_95 {strides = array<i32>} : memref<80x128xf32, #tpu.memory_space<vmem>>, vector<1x16xf32>,
        %get3A_96 = arith.index_cast %scan3A_30 : i32 to index
        %get3A_97 = arith.constant 64 : index
        %get3A_98 = tpu.vector_load %arg11[%get3A_96, %get3A_97] {strides = array<i32>} : memref<80x128xf32, #tpu.memory_space<vmem>>, vector<1x16xf32>,
        %get3A_99 = vector.shape_cast %get3A_98 : vector<1x16xf32> to vector<16xf32>
        %get3A_100 = arith.index_cast %scan3A_30 : i32 to index
        %get3A_101 = arith.constant 64 : index
        %get3A_102 = tpu.vector_load %arg10[%get3A_100, %get3A_101] {strides = array<i32>} : memref<80x128xf32, #tpu.memory_space<vmem>>, vector<1x16xf32>,
        %get3A_103 = vector.shape_cast %get3A_102 : vector<1x16xf32> to vector<16xf32>
        %add3A_104 = arith.addf %get3A_99, %get3A_103 : vector<16xf32>
        %max3A_105 = arith.constant 0.000000e+00 : f32
        %max3A_106 = vector.broadcast %max3A_105 : f32 to vector<16xf32>
        %max3A_107 = arith.maximumf %add3A_104, %max3A_106 : vector<16xf32>
        %swap3A_108 = arith.index_cast %scan3A_30 : i32 to index
        %swap3A_109 = arith.constant 64 : index
        %swap3A_110 = tpu.vector_load %arg10[%swap3A_108, %swap3A_109] {strides = array<i32>} : memref<80x128xf32, #tpu.memory_space<vmem>>, vector<1x16xf32>,
        %swap3A_111 = vector.shape_cast %swap3A_110 : vector<1x16xf32> to vector<16xf32>
        %swap3A_112 = vector.shape_cast %max3A_107 : vector<16xf32> to vector<1x16xf32>
        tpu.vector_store %arg10[%swap3A_108, %swap3A_109], %swap3A_112 {strides = array<i32>} : memref<80x128xf32, #tpu.memory_space<vmem>>, vector<1x16xf32>,
        %get3A_113 = arith.index_cast %scan3A_30 : i32 to index
        %get3A_114 = arith.constant 80 : index
        %get3A_115 = tpu.vector_load %arg11[%get3A_113, %get3A_114] {strides = array<i32>} : memref<80x128xf32, #tpu.memory_space<vmem>>, vector<1x16xf32>,
        %get3A_116 = vector.shape_cast %get3A_115 : vector<1x16xf32> to vector<16xf32>
        %get3A_117 = arith.index_cast %scan3A_30 : i32 to index
        %get3A_118 = arith.constant 80 : index
        %get3A_119 = tpu.vector_load %arg10[%get3A_117, %get3A_118] {strides = array<i32>} : memref<80x128xf32, #tpu.memory_space<vmem>>, vector<1x16xf32>,
        %get3A_120 = vector.shape_cast %get3A_119 : vector<1x16xf32> to vector<16xf32>
        %add3A_121 = arith.addf %get3A_116, %get3A_120 : vector<16xf32>
        %max3A_122 = arith.constant 0.000000e+00 : f32
        %max3A_123 = vector.broadcast %max3A_122 : f32 to vector<16xf32>
        %max3A_124 = arith.maximumf %add3A_121, %max3A_123 : vector<16xf32>
        %swap3A_125 = arith.index_cast %scan3A_30 : i32 to index
        %swap3A_126 = arith.constant 80 : index
        %swap3A_127 = tpu.vector_load %arg10[%swap3A_125, %swap3A_126] {strides = array<i32>} : memref<80x128xf32, #tpu.memory_space<vmem>>, vector<1x16xf32>,
        %swap3A_128 = vector.shape_cast %swap3A_127 : vector<1x16xf32> to vector<16xf32>
        %swap3A_129 = vector.shape_cast %max3A_124 : vector<16xf32> to vector<1x16xf32>
        tpu.vector_store %arg10[%swap3A_125, %swap3A_126], %swap3A_129 {strides = array<i32>} : memref<80x128xf32, #tpu.memory_space<vmem>>, vector<1x16xf32>,
        %get3A_130 = arith.index_cast %scan3A_30 : i32 to index
        %get3A_131 = arith.constant 96 : index
        %get3A_132 = tpu.vector_load %arg11[%get3A_130, %get3A_131] {strides = array<i32>} : memref<80x128xf32, #tpu.memory_space<vmem>>, vector<1x16xf32>,
        %get3A_133 = vector.shape_cast %get3A_132 : vector<1x16xf32> to vector<16xf32>
        %get3A_134 = arith.index_cast %scan3A_30 : i32 to index
        %get3A_135 = arith.constant 96 : index
        %get3A_136 = tpu.vector_load %arg10[%get3A_134, %get3A_135] {strides = array<i32>} : memref<80x128xf32, #tpu.memory_space<vmem>>, vector<1x16xf32>,
        %get3A_137 = vector.shape_cast %get3A_136 : vector<1x16xf32> to vector<16xf32>
        %add3A_138 = arith.addf %get3A_133, %get3A_137 : vector<16xf32>
        %max3A_139 = arith.constant 0.000000e+00 : f32
        %max3A_140 = vector.broadcast %max3A_139 : f32 to vector<16xf32>
        %max3A_141 = arith.maximumf %add3A_138, %max3A_140 : vector<16xf32>
        %swap3A_142 = arith.index_cast %scan3A_30 : i32 to index
        %swap3A_143 = arith.constant 96 : index
        %swap3A_144 = tpu.vector_load %arg10[%swap3A_142, %swap3A_143] {strides = array<i32>} : memref<80x128xf32, #tpu.memory_space<vmem>>, vector<1x16xf32>,
        %swap3A_145 = vector.shape_cast %swap3A_144 : vector<1x16xf32> to vector<16xf32>
        %swap3A_146 = vector.shape_cast %max3A_141 : vector<16xf32> to vector<1x16xf32>
        tpu.vector_store %arg10[%swap3A_142, %swap3A_143], %swap3A_146 {strides = array<i32>} : memref<80x128xf32, #tpu.memory_space<vmem>>, vector<1x16xf32>,
        %get3A_147 = arith.index_cast %scan3A_30 : i32 to index
        %get3A_148 = arith.constant 112 : index
        %get3A_149 = tpu.vector_load %arg11[%get3A_147, %get3A_148] {strides = array<i32>} : memref<80x128xf32, #tpu.memory_space<vmem>>, vector<1x16xf32>,
        %get3A_150 = vector.shape_cast %get3A_149 : vector<1x16xf32> to vector<16xf32>
        %get3A_151 = arith.index_cast %scan3A_30 : i32 to index
        %get3A_152 = arith.constant 112 : index
        %get3A_153 = tpu.vector_load %arg10[%get3A_151, %get3A_152] {strides = array<i32>} : memref<80x128xf32, #tpu.memory_space<vmem>>, vector<1x16xf32>,
        %get3A_154 = vector.shape_cast %get3A_153 : vector<1x16xf32> to vector<16xf32>
        %add3A_155 = arith.addf %get3A_150, %get3A_154 : vector<16xf32>
        %max3A_156 = arith.constant 0.000000e+00 : f32
        %max3A_157 = vector.broadcast %max3A_156 : f32 to vector<16xf32>
        %max3A_158 = arith.maximumf %add3A_155, %max3A_157 : vector<16xf32>
        %swap3A_159 = arith.index_cast %scan3A_30 : i32 to index
        %swap3A_160 = arith.constant 112 : index
        %swap3A_161 = tpu.vector_load %arg10[%swap3A_159, %swap3A_160] {strides = array<i32>} : memref<80x128xf32, #tpu.memory_space<vmem>>, vector<1x16xf32>,
        %swap3A_162 = vector.shape_cast %swap3A_161 : vector<1x16xf32> to vector<16xf32>
        %swap3A_163 = vector.shape_cast %max3A_158 : vector<16xf32> to vector<1x16xf32>
        tpu.vector_store %arg10[%swap3A_159, %swap3A_160], %swap3A_163 {strides = array<i32>} : memref<80x128xf32, #tpu.memory_space<vmem>>, vector<1x16xf32>,
        %scan3A_164 = arith.constant 1 : i32
        %scan3A_165 = arith.addi %scan3A_30, %scan3A_164 : i32
        %get3A_166 = arith.index_cast %scan3A_165 : i32 to index
        %get3A_167 = arith.constant 0 : index
        %get3A_168 = tpu.vector_load %arg11[%get3A_166, %get3A_167] {strides = array<i32>} : memref<80x128xf32, #tpu.memory_space<vmem>>, vector<1x16xf32>,
        %get3A_169 = vector.shape_cast %get3A_168 : vector<1x16xf32> to vector<16xf32>
        %get3A_170 = arith.index_cast %scan3A_165 : i32 to index
        %get3A_171 = arith.constant 0 : index
        %get3A_172 = tpu.vector_load %arg10[%get3A_170, %get3A_171] {strides = array<i32>} : memref<80x128xf32, #tpu.memory_space<vmem>>, vector<1x16xf32>,
        %get3A_173 = vector.shape_cast %get3A_172 : vector<1x16xf32> to vector<16xf32>
        %add3A_174 = arith.addf %get3A_169, %get3A_173 : vector<16xf32>
        %max3A_175 = arith.constant 0.000000e+00 : f32
        %max3A_176 = vector.broadcast %max3A_175 : f32 to vector<16xf32>
        %max3A_177 = arith.maximumf %add3A_174, %max3A_176 : vector<16xf32>
        %swap3A_178 = arith.index_cast %scan3A_165 : i32 to index
        %swap3A_179 = arith.constant 0 : index
        %swap3A_180 = tpu.vector_load %arg10[%swap3A_178, %swap3A_179] {strides = array<i32>} : memref<80x128xf32, #tpu.memory_space<vmem>>, vector<1x16xf32>,
        %swap3A_181 = vector.shape_cast %swap3A_180 : vector<1x16xf32> to vector<16xf32>
        %swap3A_182 = vector.shape_cast %max3A_177 : vector<16xf32> to vector<1x16xf32>
        tpu.vector_store %arg10[%swap3A_178, %swap3A_179], %swap3A_182 {strides = array<i32>} : memref<80x128xf32, #tpu.memory_space<vmem>>, vector<1x16xf32>,
        %get3A_183 = arith.index_cast %scan3A_165 : i32 to index
        %get3A_184 = arith.constant 16 : index
        %get3A_185 = tpu.vector_load %arg11[%get3A_183, %get3A_184] {strides = array<i32>} : memref<80x128xf32, #tpu.memory_space<vmem>>, vector<1x16xf32>,
        %get3A_186 = vector.shape_cast %get3A_185 : vector<1x16xf32> to vector<16xf32>
        %get3A_187 = arith.index_cast %scan3A_165 : i32 to index
        %get3A_188 = arith.constant 16 : index
        %get3A_189 = tpu.vector_load %arg10[%get3A_187, %get3A_188] {strides = array<i32>} : memref<80x128xf32, #tpu.memory_space<vmem>>, vector<1x16xf32>,
        %get3A_190 = vector.shape_cast %get3A_189 : vector<1x16xf32> to vector<16xf32>
        %add3A_191 = arith.addf %get3A_186, %get3A_190 : vector<16xf32>
        %max3A_192 = arith.constant 0.000000e+00 : f32
        %max3A_193 = vector.broadcast %max3A_192 : f32 to vector<16xf32>
        %max3A_194 = arith.maximumf %add3A_191, %max3A_193 : vector<16xf32>
        %swap3A_195 = arith.index_cast %scan3A_165 : i32 to index
        %swap3A_196 = arith.constant 16 : index
        %swap3A_197 = tpu.vector_load %arg10[%swap3A_195, %swap3A_196] {strides = array<i32>} : memref<80x128xf32, #tpu.memory_space<vmem>>, vector<1x16xf32>,
        %swap3A_198 = vector.shape_cast %swap3A_197 : vector<1x16xf32> to vector<16xf32>
        %swap3A_199 = vector.shape_cast %max3A_194 : vector<16xf32> to vector<1x16xf32>
        tpu.vector_store %arg10[%swap3A_195, %swap3A_196], %swap3A_199 {strides = array<i32>} : memref<80x128xf32, #tpu.memory_space<vmem>>, vector<1x16xf32>,
        %get3A_200 = arith.index_cast %scan3A_165 : i32 to index
        %get3A_201 = arith.constant 32 : index
        %get3A_202 = tpu.vector_load %arg11[%get3A_200, %get3A_201] {strides = array<i32>} : memref<80x128xf32, #tpu.memory_space<vmem>>, vector<1x16xf32>,
        %get3A_203 = vector.shape_cast %get3A_202 : vector<1x16xf32> to vector<16xf32>
        %get3A_204 = arith.index_cast %scan3A_165 : i32 to index
        %get3A_205 = arith.constant 32 : index
        %get3A_206 = tpu.vector_load %arg10[%get3A_204, %get3A_205] {strides = array<i32>} : memref<80x128xf32, #tpu.memory_space<vmem>>, vector<1x16xf32>,
        %get3A_207 = vector.shape_cast %get3A_206 : vector<1x16xf32> to vector<16xf32>
        %add3A_208 = arith.addf %get3A_203, %get3A_207 : vector<16xf32>
        %max3A_209 = arith.constant 0.000000e+00 : f32
        %max3A_210 = vector.broadcast %max3A_209 : f32 to vector<16xf32>
        %max3A_211 = arith.maximumf %add3A_208, %max3A_210 : vector<16xf32>
        %swap3A_212 = arith.index_cast %scan3A_165 : i32 to index
        %swap3A_213 = arith.constant 32 : index
        %swap3A_214 = tpu.vector_load %arg10[%swap3A_212, %swap3A_213] {strides = array<i32>} : memref<80x128xf32, #tpu.memory_space<vmem>>, vector<1x16xf32>,
        %swap3A_215 = vector.shape_cast %swap3A_214 : vector<1x16xf32> to vector<16xf32>
        %swap3A_216 = vector.shape_cast %max3A_211 : vector<16xf32> to vector<1x16xf32>
        tpu.vector_store %arg10[%swap3A_212, %swap3A_213], %swap3A_216 {strides = array<i32>} : memref<80x128xf32, #tpu.memory_space<vmem>>, vector<1x16xf32>,
        %get3A_217 = arith.index_cast %scan3A_165 : i32 to index
        %get3A_218 = arith.constant 48 : index
        %get3A_219 = tpu.vector_load %arg11[%get3A_217, %get3A_218] {strides = array<i32>} : memref<80x128xf32, #tpu.memory_space<vmem>>, vector<1x16xf32>,
        %get3A_220 = vector.shape_cast %get3A_219 : vector<1x16xf32> to vector<16xf32>
        %get3A_221 = arith.index_cast %scan3A_165 : i32 to index
        %get3A_222 = arith.constant 48 : index
        %get3A_223 = tpu.vector_load %arg10[%get3A_221, %get3A_222] {strides = array<i32>} : memref<80x128xf32, #tpu.memory_space<vmem>>, vector<1x16xf32>,
        %get3A_224 = vector.shape_cast %get3A_223 : vector<1x16xf32> to vector<16xf32>
        %add3A_225 = arith.addf %get3A_220, %get3A_224 : vector<16xf32>
        %max3A_226 = arith.constant 0.000000e+00 : f32
        %max3A_227 = vector.broadcast %max3A_226 : f32 to vector<16xf32>
        %max3A_228 = arith.maximumf %add3A_225, %max3A_227 : vector<16xf32>
        %swap3A_229 = arith.index_cast %scan3A_165 : i32 to index
        %swap3A_230 = arith.constant 48 : index
        %swap3A_231 = tpu.vector_load %arg10[%swap3A_229, %swap3A_230] {strides = array<i32>} : memref<80x128xf32, #tpu.memory_space<vmem>>, vector<1x16xf32>,
        %swap3A_232 = vector.shape_cast %swap3A_231 : vector<1x16xf32> to vector<16xf32>
        %swap3A_233 = vector.shape_cast %max3A_228 : vector<16xf32> to vector<1x16xf32>
        tpu.vector_store %arg10[%swap3A_229, %swap3A_230], %swap3A_233 {strides = array<i32>} : memref<80x128xf32, #tpu.memory_space<vmem>>, vector<1x16xf32>,
        %get3A_234 = arith.index_cast %scan3A_165 : i32 to index
        %get3A_235 = arith.constant 64 : index
        %get3A_236 = tpu.vector_load %arg11[%get3A_234, %get3A_235] {strides = array<i32>} : memref<80x128xf32, #tpu.memory_space<vmem>>, vector<1x16xf32>,
        %get3A_237 = vector.shape_cast %get3A_236 : vector<1x16xf32> to vector<16xf32>
        %get3A_238 = arith.index_cast %scan3A_165 : i32 to index
        %get3A_239 = arith.constant 64 : index
        %get3A_240 = tpu.vector_load %arg10[%get3A_238, %get3A_239] {strides = array<i32>} : memref<80x128xf32, #tpu.memory_space<vmem>>, vector<1x16xf32>,
        %get3A_241 = vector.shape_cast %get3A_240 : vector<1x16xf32> to vector<16xf32>
        %add3A_242 = arith.addf %get3A_237, %get3A_241 : vector<16xf32>
        %max3A_243 = arith.constant 0.000000e+00 : f32
        %max3A_244 = vector.broadcast %max3A_243 : f32 to vector<16xf32>
        %max3A_245 = arith.maximumf %add3A_242, %max3A_244 : vector<16xf32>
        %swap3A_246 = arith.index_cast %scan3A_165 : i32 to index
        %swap3A_247 = arith.constant 64 : index
        %swap3A_248 = tpu.vector_load %arg10[%swap3A_246, %swap3A_247] {strides = array<i32>} : memref<80x128xf32, #tpu.memory_space<vmem>>, vector<1x16xf32>,
        %swap3A_249 = vector.shape_cast %swap3A_248 : vector<1x16xf32> to vector<16xf32>
        %swap3A_250 = vector.shape_cast %max3A_245 : vector<16xf32> to vector<1x16xf32>
        tpu.vector_store %arg10[%swap3A_246, %swap3A_247], %swap3A_250 {strides = array<i32>} : memref<80x128xf32, #tpu.memory_space<vmem>>, vector<1x16xf32>,
        %get3A_251 = arith.index_cast %scan3A_165 : i32 to index
        %get3A_252 = arith.constant 80 : index
        %get3A_253 = tpu.vector_load %arg11[%get3A_251, %get3A_252] {strides = array<i32>} : memref<80x128xf32, #tpu.memory_space<vmem>>, vector<1x16xf32>,
        %get3A_254 = vector.shape_cast %get3A_253 : vector<1x16xf32> to vector<16xf32>
        %get3A_255 = arith.index_cast %scan3A_165 : i32 to index
        %get3A_256 = arith.constant 80 : index
        %get3A_257 = tpu.vector_load %arg10[%get3A_255, %get3A_256] {strides = array<i32>} : memref<80x128xf32, #tpu.memory_space<vmem>>, vector<1x16xf32>,
        %get3A_258 = vector.shape_cast %get3A_257 : vector<1x16xf32> to vector<16xf32>
        %add3A_259 = arith.addf %get3A_254, %get3A_258 : vector<16xf32>
        %max3A_260 = arith.constant 0.000000e+00 : f32
        %max3A_261 = vector.broadcast %max3A_260 : f32 to vector<16xf32>
        %max3A_262 = arith.maximumf %add3A_259, %max3A_261 : vector<16xf32>
        %swap3A_263 = arith.index_cast %scan3A_165 : i32 to index
        %swap3A_264 = arith.constant 80 : index
        %swap3A_265 = tpu.vector_load %arg10[%swap3A_263, %swap3A_264] {strides = array<i32>} : memref<80x128xf32, #tpu.memory_space<vmem>>, vector<1x16xf32>,
        %swap3A_266 = vector.shape_cast %swap3A_265 : vector<1x16xf32> to vector<16xf32>
        %swap3A_267 = vector.shape_cast %max3A_262 : vector<16xf32> to vector<1x16xf32>
        tpu.vector_store %arg10[%swap3A_263, %swap3A_264], %swap3A_267 {strides = array<i32>} : memref<80x128xf32, #tpu.memory_space<vmem>>, vector<1x16xf32>,
        %get3A_268 = arith.index_cast %scan3A_165 : i32 to index
        %get3A_269 = arith.constant 96 : index
        %get3A_270 = tpu.vector_load %arg11[%get3A_268, %get3A_269] {strides = array<i32>} : memref<80x128xf32, #tpu.memory_space<vmem>>, vector<1x16xf32>,
        %get3A_271 = vector.shape_cast %get3A_270 : vector<1x16xf32> to vector<16xf32>
        %get3A_272 = arith.index_cast %scan3A_165 : i32 to index
        %get3A_273 = arith.constant 96 : index
        %get3A_274 = tpu.vector_load %arg10[%get3A_272, %get3A_273] {strides = array<i32>} : memref<80x128xf32, #tpu.memory_space<vmem>>, vector<1x16xf32>,
        %get3A_275 = vector.shape_cast %get3A_274 : vector<1x16xf32> to vector<16xf32>
        %add3A_276 = arith.addf %get3A_271, %get3A_275 : vector<16xf32>
        %max3A_277 = arith.constant 0.000000e+00 : f32
        %max3A_278 = vector.broadcast %max3A_277 : f32 to vector<16xf32>
        %max3A_279 = arith.maximumf %add3A_276, %max3A_278 : vector<16xf32>
        %swap3A_280 = arith.index_cast %scan3A_165 : i32 to index
        %swap3A_281 = arith.constant 96 : index
        %swap3A_282 = tpu.vector_load %arg10[%swap3A_280, %swap3A_281] {strides = array<i32>} : memref<80x128xf32, #tpu.memory_space<vmem>>, vector<1x16xf32>,
        %swap3A_283 = vector.shape_cast %swap3A_282 : vector<1x16xf32> to vector<16xf32>
        %swap3A_284 = vector.shape_cast %max3A_279 : vector<16xf32> to vector<1x16xf32>
        tpu.vector_store %arg10[%swap3A_280, %swap3A_281], %swap3A_284 {strides = array<i32>} : memref<80x128xf32, #tpu.memory_space<vmem>>, vector<1x16xf32>,
        %get3A_285 = arith.index_cast %scan3A_165 : i32 to index
        %get3A_286 = arith.constant 112 : index
        %get3A_287 = tpu.vector_load %arg11[%get3A_285, %get3A_286] {strides = array<i32>} : memref<80x128xf32, #tpu.memory_space<vmem>>, vector<1x16xf32>,
        %get3A_288 = vector.shape_cast %get3A_287 : vector<1x16xf32> to vector<16xf32>
        %get3A_289 = arith.index_cast %scan3A_165 : i32 to index
        %get3A_290 = arith.constant 112 : index
        %get3A_291 = tpu.vector_load %arg10[%get3A_289, %get3A_290] {strides = array<i32>} : memref<80x128xf32, #tpu.memory_space<vmem>>, vector<1x16xf32>,
        %get3A_292 = vector.shape_cast %get3A_291 : vector<1x16xf32> to vector<16xf32>
        %add3A_293 = arith.addf %get3A_288, %get3A_292 : vector<16xf32>
        %max3A_294 = arith.constant 0.000000e+00 : f32
        %max3A_295 = vector.broadcast %max3A_294 : f32 to vector<16xf32>
        %max3A_296 = arith.maximumf %add3A_293, %max3A_295 : vector<16xf32>
        %swap3A_297 = arith.index_cast %scan3A_165 : i32 to index
        %swap3A_298 = arith.constant 112 : index
        %swap3A_299 = tpu.vector_load %arg10[%swap3A_297, %swap3A_298] {strides = array<i32>} : memref<80x128xf32, #tpu.memory_space<vmem>>, vector<1x16xf32>,
        %swap3A_300 = vector.shape_cast %swap3A_299 : vector<1x16xf32> to vector<16xf32>
        %swap3A_301 = vector.shape_cast %max3A_296 : vector<16xf32> to vector<1x16xf32>
        tpu.vector_store %arg10[%swap3A_297, %swap3A_298], %swap3A_301 {strides = array<i32>} : memref<80x128xf32, #tpu.memory_space<vmem>>, vector<1x16xf32>,
      }
      %scan3A_29 = arith.constant 80 : i32
      "tpu.region"() ({
        %run_scoped3A = tpu.sem_alloc : memref<!tpu.dma_semaphore, #tpu.memory_space<semaphore_mem>>
        %dma_start3A_30 = arith.constant 0 : i32
        %dma_start3A_31 = arith.constant 0 : i32
        %dma_start3A_32 = tpu.memref_slice %arg12[%dma_start3A_30, %dma_start3A_31] : memref<10240x128xf32, #tpu.memory_space<vmem_shared>> -> memref<10240x128xf32, #tpu.memory_space<vmem_shared>>
        tpu.enqueue_indirect_dma source(%arg10 : memref<80x128xf32, #tpu.memory_space<vmem>>) target(%dma_start3A_32 : memref<10240x128xf32, #tpu.memory_space<vmem_shared>>) offsets(%arg9 : memref<80xi32, #tpu.memory_space<vmem>>) semaphore(%run_scoped3A : memref<!tpu.dma_semaphore, #tpu.memory_space<semaphore_mem>>) {add = true}
        %dma_wait3A_33 = arith.constant 0 : i32
        %dma_wait3A_34 = arith.constant 0 : i32
        %dma_wait3A_35 = tpu.memref_slice %arg12[%dma_wait3A_33, %dma_wait3A_34] : memref<10240x128xf32, #tpu.memory_space<vmem_shared>> -> memref<10240x128xf32, #tpu.memory_space<vmem_shared>>
        tpu.wait_indirect_dma semaphore(%run_scoped3A : memref<!tpu.dma_semaphore, #tpu.memory_space<semaphore_mem>>) src(%arg10 : memref<80x128xf32, #tpu.memory_space<vmem>>) dst(%dma_wait3A_35 : memref<10240x128xf32, #tpu.memory_space<vmem_shared>>)
        tpu.yield
      }) : () -> ()
    }
    %scan3A_9 = arith.constant 125 : i32
    %barrier3A_10 = arith.constant 0 : index
    tpu.barrier barrier_id(%barrier3A_10)
    %mul3A_11 = arith.constant 640 : i32
    %mul3A_12 = arith.muli %arg1, %mul3A_11 : i32
    %mul3A_13 = arith.constant 640 : i32
    %mul3A_14 = arith.muli %arg1, %mul3A_13 : i32
    "tpu.region"() ({
      %run_scoped3A = tpu.sem_alloc : memref<!tpu.dma_semaphore, #tpu.memory_space<semaphore_mem>>
      %dma_start3A = arith.constant 0 : i32
      %dma_start3A_15 = tpu.memref_slice %arg7[%arg0, %mul3A_14, %dma_start3A] : memref<2x10240x128xf32, #tpu.memory_space<hbm>> -> memref<1x640x128xf32, #tpu.memory_space<hbm>>
      %dma_start3A_16 = tpu.memref_squeeze %dma_start3A_15 : memref<1x640x128xf32, #tpu.memory_space<hbm>> -> memref<640x128xf32, #tpu.memory_space<hbm>>
      %dma_start3A_17 = arith.constant 0 : i32
      %dma_start3A_18 = tpu.memref_slice %arg12[%mul3A_12, %dma_start3A_17] : memref<10240x128xf32, #tpu.memory_space<vmem_shared>> -> memref<640x128xf32, #tpu.memory_space<vmem_shared>>
      tpu.enqueue_dma source(%dma_start3A_18 : memref<640x128xf32, #tpu.memory_space<vmem_shared>>) target(%dma_start3A_16 : memref<640x128xf32, #tpu.memory_space<hbm>>) target_semaphore(%run_scoped3A : memref<!tpu.dma_semaphore, #tpu.memory_space<semaphore_mem>>)
      %dma_wait3A = arith.constant 0 : i32
      %dma_wait3A_19 = tpu.memref_slice %arg7[%arg0, %mul3A_14, %dma_wait3A] : memref<2x10240x128xf32, #tpu.memory_space<hbm>> -> memref<1x640x128xf32, #tpu.memory_space<hbm>>
      %dma_wait3A_20 = tpu.memref_squeeze %dma_wait3A_19 : memref<1x640x128xf32, #tpu.memory_space<hbm>> -> memref<640x128xf32, #tpu.memory_space<hbm>>
      %dma_wait3A_21 = arith.constant 0 : i32
      %dma_wait3A_22 = tpu.memref_slice %arg12[%mul3A_12, %dma_wait3A_21] : memref<10240x128xf32, #tpu.memory_space<vmem_shared>> -> memref<640x128xf32, #tpu.memory_space<vmem_shared>>
      tpu.wait_dma2 semaphore(%run_scoped3A : memref<!tpu.dma_semaphore, #tpu.memory_space<semaphore_mem>>) src(%dma_wait3A_22 : memref<640x128xf32, #tpu.memory_space<vmem_shared>>) dst(%dma_wait3A_20 : memref<640x128xf32, #tpu.memory_space<hbm>>)
      tpu.yield
    }) : () -> ()
    return
  }
}

#map = affine_map<(d0, d1) -> (0, 0)>
#map1 = affine_map<(d0, d1) -> (0)>
#map2 = affine_map<(d0, d1) -> (0, 0, 0)>
module attributes {stable_mosaic.version = 14 : i64} {
  func.func @_sc_agg_body(%arg0: i32, %arg1: i32, %arg2: memref<10000x128xf32, #tpu.memory_space<hbm>>, %arg3: memref<320000x128xf32, #tpu.memory_space<hbm>>, %arg4: memref<320000xi32, #tpu.memory_space<hbm>>, %arg5: memref<320000xi32, #tpu.memory_space<hbm>>, %arg6: memref<640x128xf32, #tpu.memory_space<hbm>>, %arg7: memref<2x10240x128xf32, #tpu.memory_space<hbm>>, %arg8: memref<80xi32, #tpu.memory_space<vmem>>, %arg9: memref<80xi32, #tpu.memory_space<vmem>>, %arg10: memref<80x128xf32, #tpu.memory_space<vmem>>, %arg11: memref<80x128xf32, #tpu.memory_space<vmem>>, %arg12: memref<10240x128xf32, #tpu.memory_space<vmem_shared>>, %arg13: memref<!tpu.dma_semaphore, #tpu.memory_space<semaphore_mem>>) attributes {dimension_semantics = [#tpu.dimension_semantics<core_parallel>, #tpu.dimension_semantics<subcore_parallel>], iteration_bounds = array<i64: 2, 16>, scalar_prefetch = 0 : i64, scratch_operands = 6 : i64, tpu.core_type = #tpu.core_type<sc_vector_subcore>, window_params = [{transform_indices = #map}, {transform_indices = #map}, {transform_indices = #map1}, {transform_indices = #map1}, {transform_indices = #map}, {transform_indices = #map2}]} {
    %mul3A = arith.constant 16 : i32
    %mul3A_0 = arith.muli %arg0, %mul3A : i32
    %add3A = arith.addi %mul3A_0, %arg1 : i32
    %mul3A_1 = arith.constant 640 : i32
    %mul3A_2 = arith.muli %arg1, %mul3A_1 : i32
    "tpu.region"() ({
      %run_scoped3A = tpu.sem_alloc : memref<!tpu.dma_semaphore, #tpu.memory_space<semaphore_mem>>
      %dma_start3A = arith.constant 0 : i32
      %dma_start3A_15 = tpu.memref_slice %arg12[%mul3A_2, %dma_start3A] : memref<10240x128xf32, #tpu.memory_space<vmem_shared>> -> memref<640x128xf32, #tpu.memory_space<vmem_shared>>
      tpu.enqueue_dma source(%arg6 : memref<640x128xf32, #tpu.memory_space<hbm>>) target(%dma_start3A_15 : memref<640x128xf32, #tpu.memory_space<vmem_shared>>) target_semaphore(%run_scoped3A : memref<!tpu.dma_semaphore, #tpu.memory_space<semaphore_mem>>)
      %dma_wait3A = arith.constant 0 : i32
      %dma_wait3A_16 = tpu.memref_slice %arg12[%mul3A_2, %dma_wait3A] : memref<10240x128xf32, #tpu.memory_space<vmem_shared>> -> memref<640x128xf32, #tpu.memory_space<vmem_shared>>
      tpu.wait_dma2 semaphore(%run_scoped3A : memref<!tpu.dma_semaphore, #tpu.memory_space<semaphore_mem>>) src(%arg6 : memref<640x128xf32, #tpu.memory_space<hbm>>) dst(%dma_wait3A_16 : memref<640x128xf32, #tpu.memory_space<vmem_shared>>)
      tpu.yield
    }) : () -> ()
    %barrier3A = arith.constant 0 : index
    tpu.barrier barrier_id(%barrier3A)
    %mul3A_3 = arith.constant 10000 : i32
    %mul3A_4 = arith.muli %add3A, %mul3A_3 : i32
    %multiple_of3A = tpu.assume_multiple %mul3A_4, 16 : i32
    %scan3A = arith.constant 0 : i32
    %scan3A_5 = arith.constant 0 : i32
    %scan3A_6 = arith.constant 125 : i32
    %scan3A_7 = arith.addi %scan3A_5, %scan3A_6 : i32
    %scan3A_8 = arith.constant 1 : i32
    scf.for %scan3A_15 = %scan3A_5 to %scan3A_7 step %scan3A_8  : i32 {
      %mul3A_16 = arith.constant 80 : i32
      %mul3A_17 = arith.muli %scan3A_15, %mul3A_16 : i32
      %add3A_18 = arith.addi %multiple_of3A, %mul3A_17 : i32
      %multiple_of3A_19 = tpu.assume_multiple %add3A_18, 16 : i32
      "tpu.region"() ({
        %run_scoped3A = tpu.sem_alloc : memref<!tpu.dma_semaphore, #tpu.memory_space<semaphore_mem>>
        %dma_start3A_30 = tpu.memref_slice %arg4[%multiple_of3A_19] : memref<320000xi32, #tpu.memory_space<hbm>> -> memref<80xi32, #tpu.memory_space<hbm>>
        %dma_start3A_31 = tpu.memref_slice %arg4[%multiple_of3A_19] : memref<320000xi32, #tpu.memory_space<hbm>> -> memref<80xi32, #tpu.memory_space<hbm>>
        tpu.enqueue_dma source(%dma_start3A_31 : memref<80xi32, #tpu.memory_space<hbm>>) target(%arg8 : memref<80xi32, #tpu.memory_space<vmem>>) target_semaphore(%run_scoped3A : memref<!tpu.dma_semaphore, #tpu.memory_space<semaphore_mem>>)
        %dma_wait3A_32 = tpu.memref_slice %arg4[%multiple_of3A_19] : memref<320000xi32, #tpu.memory_space<hbm>> -> memref<80xi32, #tpu.memory_space<hbm>>
        %dma_wait3A_33 = tpu.memref_slice %arg4[%multiple_of3A_19] : memref<320000xi32, #tpu.memory_space<hbm>> -> memref<80xi32, #tpu.memory_space<hbm>>
        tpu.wait_dma2 semaphore(%run_scoped3A : memref<!tpu.dma_semaphore, #tpu.memory_space<semaphore_mem>>) src(%dma_wait3A_33 : memref<80xi32, #tpu.memory_space<hbm>>) dst(%arg8 : memref<80xi32, #tpu.memory_space<vmem>>)
        tpu.yield
      }) : () -> ()
      "tpu.region"() ({
        %run_scoped3A = tpu.sem_alloc : memref<!tpu.dma_semaphore, #tpu.memory_space<semaphore_mem>>
        %dma_start3A_30 = tpu.memref_slice %arg5[%multiple_of3A_19] : memref<320000xi32, #tpu.memory_space<hbm>> -> memref<80xi32, #tpu.memory_space<hbm>>
        %dma_start3A_31 = tpu.memref_slice %arg5[%multiple_of3A_19] : memref<320000xi32, #tpu.memory_space<hbm>> -> memref<80xi32, #tpu.memory_space<hbm>>
        tpu.enqueue_dma source(%dma_start3A_31 : memref<80xi32, #tpu.memory_space<hbm>>) target(%arg9 : memref<80xi32, #tpu.memory_space<vmem>>) target_semaphore(%run_scoped3A : memref<!tpu.dma_semaphore, #tpu.memory_space<semaphore_mem>>)
        %dma_wait3A_32 = tpu.memref_slice %arg5[%multiple_of3A_19] : memref<320000xi32, #tpu.memory_space<hbm>> -> memref<80xi32, #tpu.memory_space<hbm>>
        %dma_wait3A_33 = tpu.memref_slice %arg5[%multiple_of3A_19] : memref<320000xi32, #tpu.memory_space<hbm>> -> memref<80xi32, #tpu.memory_space<hbm>>
        tpu.wait_dma2 semaphore(%run_scoped3A : memref<!tpu.dma_semaphore, #tpu.memory_space<semaphore_mem>>) src(%dma_wait3A_33 : memref<80xi32, #tpu.memory_space<hbm>>) dst(%arg9 : memref<80xi32, #tpu.memory_space<vmem>>)
        tpu.yield
      }) : () -> ()
      "tpu.region"() ({
        %run_scoped3A = tpu.sem_alloc : memref<!tpu.dma_semaphore, #tpu.memory_space<semaphore_mem>>
        %dma_start3A_30 = arith.constant 0 : i32
        %dma_start3A_31 = tpu.memref_slice %arg3[%multiple_of3A_19, %dma_start3A_30] : memref<320000x128xf32, #tpu.memory_space<hbm>> -> memref<80x128xf32, #tpu.memory_space<hbm>>
        %dma_start3A_32 = arith.constant 0 : i32
        %dma_start3A_33 = tpu.memref_slice %arg3[%multiple_of3A_19, %dma_start3A_32] : memref<320000x128xf32, #tpu.memory_space<hbm>> -> memref<80x128xf32, #tpu.memory_space<hbm>>
        tpu.enqueue_dma source(%dma_start3A_33 : memref<80x128xf32, #tpu.memory_space<hbm>>) target(%arg10 : memref<80x128xf32, #tpu.memory_space<vmem>>) target_semaphore(%run_scoped3A : memref<!tpu.dma_semaphore, #tpu.memory_space<semaphore_mem>>)
        %dma_wait3A_34 = arith.constant 0 : i32
        %dma_wait3A_35 = tpu.memref_slice %arg3[%multiple_of3A_19, %dma_wait3A_34] : memref<320000x128xf32, #tpu.memory_space<hbm>> -> memref<80x128xf32, #tpu.memory_space<hbm>>
        %dma_wait3A_36 = arith.constant 0 : i32
        %dma_wait3A_37 = tpu.memref_slice %arg3[%multiple_of3A_19, %dma_wait3A_36] : memref<320000x128xf32, #tpu.memory_space<hbm>> -> memref<80x128xf32, #tpu.memory_space<hbm>>
        tpu.wait_dma2 semaphore(%run_scoped3A : memref<!tpu.dma_semaphore, #tpu.memory_space<semaphore_mem>>) src(%dma_wait3A_37 : memref<80x128xf32, #tpu.memory_space<hbm>>) dst(%arg10 : memref<80x128xf32, #tpu.memory_space<vmem>>)
        tpu.yield
      }) : () -> ()
      %dma_start3A = arith.constant 0 : i32
      %dma_start3A_20 = arith.constant 0 : i32
      %dma_start3A_21 = tpu.memref_slice %arg2[%dma_start3A, %dma_start3A_20] : memref<10000x128xf32, #tpu.memory_space<hbm>> -> memref<10000x128xf32, #tpu.memory_space<hbm>>
      tpu.enqueue_indirect_dma source(%dma_start3A_21 : memref<10000x128xf32, #tpu.memory_space<hbm>>) target(%arg11 : memref<80x128xf32, #tpu.memory_space<vmem>>) offsets(%arg8 : memref<80xi32, #tpu.memory_space<vmem>>) semaphore(%arg13 : memref<!tpu.dma_semaphore, #tpu.memory_space<semaphore_mem>>)
      %dma_wait3A = arith.constant 0 : i32
      %dma_wait3A_22 = arith.constant 0 : i32
      %dma_wait3A_23 = tpu.memref_slice %arg2[%dma_wait3A, %dma_wait3A_22] : memref<10000x128xf32, #tpu.memory_space<hbm>> -> memref<10000x128xf32, #tpu.memory_space<hbm>>
      tpu.wait_indirect_dma semaphore(%arg13 : memref<!tpu.dma_semaphore, #tpu.memory_space<semaphore_mem>>) src(%dma_wait3A_23 : memref<10000x128xf32, #tpu.memory_space<hbm>>) dst(%arg11 : memref<80x128xf32, #tpu.memory_space<vmem>>)
      %scan3A_24 = arith.constant 0 : i32
      %scan3A_25 = arith.constant 0 : i32
      %scan3A_26 = arith.constant 80 : i32
      %scan3A_27 = arith.addi %scan3A_25, %scan3A_26 : i32
      %scan3A_28 = arith.constant 2 : i32
      scf.for %scan3A_30 = %scan3A_25 to %scan3A_27 step %scan3A_28  : i32 {
        %get3A = arith.index_cast %scan3A_30 : i32 to index
        %get3A_31 = arith.constant 0 : index
        %get3A_32 = tpu.vector_load %arg11[%get3A, %get3A_31] {strides = array<i32>} : memref<80x128xf32, #tpu.memory_space<vmem>>, vector<1x16xf32>,
        %get3A_33 = vector.shape_cast %get3A_32 : vector<1x16xf32> to vector<16xf32>
        %get3A_34 = arith.index_cast %scan3A_30 : i32 to index
        %get3A_35 = arith.constant 0 : index
        %get3A_36 = tpu.vector_load %arg10[%get3A_34, %get3A_35] {strides = array<i32>} : memref<80x128xf32, #tpu.memory_space<vmem>>, vector<1x16xf32>,
        %get3A_37 = vector.shape_cast %get3A_36 : vector<1x16xf32> to vector<16xf32>
        %add3A_38 = arith.addf %get3A_33, %get3A_37 : vector<16xf32>
        %max3A = arith.constant 0.000000e+00 : f32
        %max3A_39 = vector.broadcast %max3A : f32 to vector<16xf32>
        %max3A_40 = arith.maximumf %add3A_38, %max3A_39 : vector<16xf32>
        %swap3A = arith.index_cast %scan3A_30 : i32 to index
        %swap3A_41 = arith.constant 0 : index
        %swap3A_42 = tpu.vector_load %arg10[%swap3A, %swap3A_41] {strides = array<i32>} : memref<80x128xf32, #tpu.memory_space<vmem>>, vector<1x16xf32>,
        %swap3A_43 = vector.shape_cast %swap3A_42 : vector<1x16xf32> to vector<16xf32>
        %swap3A_44 = vector.shape_cast %max3A_40 : vector<16xf32> to vector<1x16xf32>
        tpu.vector_store %arg10[%swap3A, %swap3A_41], %swap3A_44 {strides = array<i32>} : memref<80x128xf32, #tpu.memory_space<vmem>>, vector<1x16xf32>,
        %get3A_45 = arith.index_cast %scan3A_30 : i32 to index
        %get3A_46 = arith.constant 16 : index
        %get3A_47 = tpu.vector_load %arg11[%get3A_45, %get3A_46] {strides = array<i32>} : memref<80x128xf32, #tpu.memory_space<vmem>>, vector<1x16xf32>,
        %get3A_48 = vector.shape_cast %get3A_47 : vector<1x16xf32> to vector<16xf32>
        %get3A_49 = arith.index_cast %scan3A_30 : i32 to index
        %get3A_50 = arith.constant 16 : index
        %get3A_51 = tpu.vector_load %arg10[%get3A_49, %get3A_50] {strides = array<i32>} : memref<80x128xf32, #tpu.memory_space<vmem>>, vector<1x16xf32>,
        %get3A_52 = vector.shape_cast %get3A_51 : vector<1x16xf32> to vector<16xf32>
        %add3A_53 = arith.addf %get3A_48, %get3A_52 : vector<16xf32>
        %max3A_54 = arith.constant 0.000000e+00 : f32
        %max3A_55 = vector.broadcast %max3A_54 : f32 to vector<16xf32>
        %max3A_56 = arith.maximumf %add3A_53, %max3A_55 : vector<16xf32>
        %swap3A_57 = arith.index_cast %scan3A_30 : i32 to index
        %swap3A_58 = arith.constant 16 : index
        %swap3A_59 = tpu.vector_load %arg10[%swap3A_57, %swap3A_58] {strides = array<i32>} : memref<80x128xf32, #tpu.memory_space<vmem>>, vector<1x16xf32>,
        %swap3A_60 = vector.shape_cast %swap3A_59 : vector<1x16xf32> to vector<16xf32>
        %swap3A_61 = vector.shape_cast %max3A_56 : vector<16xf32> to vector<1x16xf32>
        tpu.vector_store %arg10[%swap3A_57, %swap3A_58], %swap3A_61 {strides = array<i32>} : memref<80x128xf32, #tpu.memory_space<vmem>>, vector<1x16xf32>,
        %get3A_62 = arith.index_cast %scan3A_30 : i32 to index
        %get3A_63 = arith.constant 32 : index
        %get3A_64 = tpu.vector_load %arg11[%get3A_62, %get3A_63] {strides = array<i32>} : memref<80x128xf32, #tpu.memory_space<vmem>>, vector<1x16xf32>,
        %get3A_65 = vector.shape_cast %get3A_64 : vector<1x16xf32> to vector<16xf32>
        %get3A_66 = arith.index_cast %scan3A_30 : i32 to index
        %get3A_67 = arith.constant 32 : index
        %get3A_68 = tpu.vector_load %arg10[%get3A_66, %get3A_67] {strides = array<i32>} : memref<80x128xf32, #tpu.memory_space<vmem>>, vector<1x16xf32>,
        %get3A_69 = vector.shape_cast %get3A_68 : vector<1x16xf32> to vector<16xf32>
        %add3A_70 = arith.addf %get3A_65, %get3A_69 : vector<16xf32>
        %max3A_71 = arith.constant 0.000000e+00 : f32
        %max3A_72 = vector.broadcast %max3A_71 : f32 to vector<16xf32>
        %max3A_73 = arith.maximumf %add3A_70, %max3A_72 : vector<16xf32>
        %swap3A_74 = arith.index_cast %scan3A_30 : i32 to index
        %swap3A_75 = arith.constant 32 : index
        %swap3A_76 = tpu.vector_load %arg10[%swap3A_74, %swap3A_75] {strides = array<i32>} : memref<80x128xf32, #tpu.memory_space<vmem>>, vector<1x16xf32>,
        %swap3A_77 = vector.shape_cast %swap3A_76 : vector<1x16xf32> to vector<16xf32>
        %swap3A_78 = vector.shape_cast %max3A_73 : vector<16xf32> to vector<1x16xf32>
        tpu.vector_store %arg10[%swap3A_74, %swap3A_75], %swap3A_78 {strides = array<i32>} : memref<80x128xf32, #tpu.memory_space<vmem>>, vector<1x16xf32>,
        %get3A_79 = arith.index_cast %scan3A_30 : i32 to index
        %get3A_80 = arith.constant 48 : index
        %get3A_81 = tpu.vector_load %arg11[%get3A_79, %get3A_80] {strides = array<i32>} : memref<80x128xf32, #tpu.memory_space<vmem>>, vector<1x16xf32>,
        %get3A_82 = vector.shape_cast %get3A_81 : vector<1x16xf32> to vector<16xf32>
        %get3A_83 = arith.index_cast %scan3A_30 : i32 to index
        %get3A_84 = arith.constant 48 : index
        %get3A_85 = tpu.vector_load %arg10[%get3A_83, %get3A_84] {strides = array<i32>} : memref<80x128xf32, #tpu.memory_space<vmem>>, vector<1x16xf32>,
        %get3A_86 = vector.shape_cast %get3A_85 : vector<1x16xf32> to vector<16xf32>
        %add3A_87 = arith.addf %get3A_82, %get3A_86 : vector<16xf32>
        %max3A_88 = arith.constant 0.000000e+00 : f32
        %max3A_89 = vector.broadcast %max3A_88 : f32 to vector<16xf32>
        %max3A_90 = arith.maximumf %add3A_87, %max3A_89 : vector<16xf32>
        %swap3A_91 = arith.index_cast %scan3A_30 : i32 to index
        %swap3A_92 = arith.constant 48 : index
        %swap3A_93 = tpu.vector_load %arg10[%swap3A_91, %swap3A_92] {strides = array<i32>} : memref<80x128xf32, #tpu.memory_space<vmem>>, vector<1x16xf32>,
        %swap3A_94 = vector.shape_cast %swap3A_93 : vector<1x16xf32> to vector<16xf32>
        %swap3A_95 = vector.shape_cast %max3A_90 : vector<16xf32> to vector<1x16xf32>
        tpu.vector_store %arg10[%swap3A_91, %swap3A_92], %swap3A_95 {strides = array<i32>} : memref<80x128xf32, #tpu.memory_space<vmem>>, vector<1x16xf32>,
        %get3A_96 = arith.index_cast %scan3A_30 : i32 to index
        %get3A_97 = arith.constant 64 : index
        %get3A_98 = tpu.vector_load %arg11[%get3A_96, %get3A_97] {strides = array<i32>} : memref<80x128xf32, #tpu.memory_space<vmem>>, vector<1x16xf32>,
        %get3A_99 = vector.shape_cast %get3A_98 : vector<1x16xf32> to vector<16xf32>
        %get3A_100 = arith.index_cast %scan3A_30 : i32 to index
        %get3A_101 = arith.constant 64 : index
        %get3A_102 = tpu.vector_load %arg10[%get3A_100, %get3A_101] {strides = array<i32>} : memref<80x128xf32, #tpu.memory_space<vmem>>, vector<1x16xf32>,
        %get3A_103 = vector.shape_cast %get3A_102 : vector<1x16xf32> to vector<16xf32>
        %add3A_104 = arith.addf %get3A_99, %get3A_103 : vector<16xf32>
        %max3A_105 = arith.constant 0.000000e+00 : f32
        %max3A_106 = vector.broadcast %max3A_105 : f32 to vector<16xf32>
        %max3A_107 = arith.maximumf %add3A_104, %max3A_106 : vector<16xf32>
        %swap3A_108 = arith.index_cast %scan3A_30 : i32 to index
        %swap3A_109 = arith.constant 64 : index
        %swap3A_110 = tpu.vector_load %arg10[%swap3A_108, %swap3A_109] {strides = array<i32>} : memref<80x128xf32, #tpu.memory_space<vmem>>, vector<1x16xf32>,
        %swap3A_111 = vector.shape_cast %swap3A_110 : vector<1x16xf32> to vector<16xf32>
        %swap3A_112 = vector.shape_cast %max3A_107 : vector<16xf32> to vector<1x16xf32>
        tpu.vector_store %arg10[%swap3A_108, %swap3A_109], %swap3A_112 {strides = array<i32>} : memref<80x128xf32, #tpu.memory_space<vmem>>, vector<1x16xf32>,
        %get3A_113 = arith.index_cast %scan3A_30 : i32 to index
        %get3A_114 = arith.constant 80 : index
        %get3A_115 = tpu.vector_load %arg11[%get3A_113, %get3A_114] {strides = array<i32>} : memref<80x128xf32, #tpu.memory_space<vmem>>, vector<1x16xf32>,
        %get3A_116 = vector.shape_cast %get3A_115 : vector<1x16xf32> to vector<16xf32>
        %get3A_117 = arith.index_cast %scan3A_30 : i32 to index
        %get3A_118 = arith.constant 80 : index
        %get3A_119 = tpu.vector_load %arg10[%get3A_117, %get3A_118] {strides = array<i32>} : memref<80x128xf32, #tpu.memory_space<vmem>>, vector<1x16xf32>,
        %get3A_120 = vector.shape_cast %get3A_119 : vector<1x16xf32> to vector<16xf32>
        %add3A_121 = arith.addf %get3A_116, %get3A_120 : vector<16xf32>
        %max3A_122 = arith.constant 0.000000e+00 : f32
        %max3A_123 = vector.broadcast %max3A_122 : f32 to vector<16xf32>
        %max3A_124 = arith.maximumf %add3A_121, %max3A_123 : vector<16xf32>
        %swap3A_125 = arith.index_cast %scan3A_30 : i32 to index
        %swap3A_126 = arith.constant 80 : index
        %swap3A_127 = tpu.vector_load %arg10[%swap3A_125, %swap3A_126] {strides = array<i32>} : memref<80x128xf32, #tpu.memory_space<vmem>>, vector<1x16xf32>,
        %swap3A_128 = vector.shape_cast %swap3A_127 : vector<1x16xf32> to vector<16xf32>
        %swap3A_129 = vector.shape_cast %max3A_124 : vector<16xf32> to vector<1x16xf32>
        tpu.vector_store %arg10[%swap3A_125, %swap3A_126], %swap3A_129 {strides = array<i32>} : memref<80x128xf32, #tpu.memory_space<vmem>>, vector<1x16xf32>,
        %get3A_130 = arith.index_cast %scan3A_30 : i32 to index
        %get3A_131 = arith.constant 96 : index
        %get3A_132 = tpu.vector_load %arg11[%get3A_130, %get3A_131] {strides = array<i32>} : memref<80x128xf32, #tpu.memory_space<vmem>>, vector<1x16xf32>,
        %get3A_133 = vector.shape_cast %get3A_132 : vector<1x16xf32> to vector<16xf32>
        %get3A_134 = arith.index_cast %scan3A_30 : i32 to index
        %get3A_135 = arith.constant 96 : index
        %get3A_136 = tpu.vector_load %arg10[%get3A_134, %get3A_135] {strides = array<i32>} : memref<80x128xf32, #tpu.memory_space<vmem>>, vector<1x16xf32>,
        %get3A_137 = vector.shape_cast %get3A_136 : vector<1x16xf32> to vector<16xf32>
        %add3A_138 = arith.addf %get3A_133, %get3A_137 : vector<16xf32>
        %max3A_139 = arith.constant 0.000000e+00 : f32
        %max3A_140 = vector.broadcast %max3A_139 : f32 to vector<16xf32>
        %max3A_141 = arith.maximumf %add3A_138, %max3A_140 : vector<16xf32>
        %swap3A_142 = arith.index_cast %scan3A_30 : i32 to index
        %swap3A_143 = arith.constant 96 : index
        %swap3A_144 = tpu.vector_load %arg10[%swap3A_142, %swap3A_143] {strides = array<i32>} : memref<80x128xf32, #tpu.memory_space<vmem>>, vector<1x16xf32>,
        %swap3A_145 = vector.shape_cast %swap3A_144 : vector<1x16xf32> to vector<16xf32>
        %swap3A_146 = vector.shape_cast %max3A_141 : vector<16xf32> to vector<1x16xf32>
        tpu.vector_store %arg10[%swap3A_142, %swap3A_143], %swap3A_146 {strides = array<i32>} : memref<80x128xf32, #tpu.memory_space<vmem>>, vector<1x16xf32>,
        %get3A_147 = arith.index_cast %scan3A_30 : i32 to index
        %get3A_148 = arith.constant 112 : index
        %get3A_149 = tpu.vector_load %arg11[%get3A_147, %get3A_148] {strides = array<i32>} : memref<80x128xf32, #tpu.memory_space<vmem>>, vector<1x16xf32>,
        %get3A_150 = vector.shape_cast %get3A_149 : vector<1x16xf32> to vector<16xf32>
        %get3A_151 = arith.index_cast %scan3A_30 : i32 to index
        %get3A_152 = arith.constant 112 : index
        %get3A_153 = tpu.vector_load %arg10[%get3A_151, %get3A_152] {strides = array<i32>} : memref<80x128xf32, #tpu.memory_space<vmem>>, vector<1x16xf32>,
        %get3A_154 = vector.shape_cast %get3A_153 : vector<1x16xf32> to vector<16xf32>
        %add3A_155 = arith.addf %get3A_150, %get3A_154 : vector<16xf32>
        %max3A_156 = arith.constant 0.000000e+00 : f32
        %max3A_157 = vector.broadcast %max3A_156 : f32 to vector<16xf32>
        %max3A_158 = arith.maximumf %add3A_155, %max3A_157 : vector<16xf32>
        %swap3A_159 = arith.index_cast %scan3A_30 : i32 to index
        %swap3A_160 = arith.constant 112 : index
        %swap3A_161 = tpu.vector_load %arg10[%swap3A_159, %swap3A_160] {strides = array<i32>} : memref<80x128xf32, #tpu.memory_space<vmem>>, vector<1x16xf32>,
        %swap3A_162 = vector.shape_cast %swap3A_161 : vector<1x16xf32> to vector<16xf32>
        %swap3A_163 = vector.shape_cast %max3A_158 : vector<16xf32> to vector<1x16xf32>
        tpu.vector_store %arg10[%swap3A_159, %swap3A_160], %swap3A_163 {strides = array<i32>} : memref<80x128xf32, #tpu.memory_space<vmem>>, vector<1x16xf32>,
        %scan3A_164 = arith.constant 1 : i32
        %scan3A_165 = arith.addi %scan3A_30, %scan3A_164 : i32
        %get3A_166 = arith.index_cast %scan3A_165 : i32 to index
        %get3A_167 = arith.constant 0 : index
        %get3A_168 = tpu.vector_load %arg11[%get3A_166, %get3A_167] {strides = array<i32>} : memref<80x128xf32, #tpu.memory_space<vmem>>, vector<1x16xf32>,
        %get3A_169 = vector.shape_cast %get3A_168 : vector<1x16xf32> to vector<16xf32>
        %get3A_170 = arith.index_cast %scan3A_165 : i32 to index
        %get3A_171 = arith.constant 0 : index
        %get3A_172 = tpu.vector_load %arg10[%get3A_170, %get3A_171] {strides = array<i32>} : memref<80x128xf32, #tpu.memory_space<vmem>>, vector<1x16xf32>,
        %get3A_173 = vector.shape_cast %get3A_172 : vector<1x16xf32> to vector<16xf32>
        %add3A_174 = arith.addf %get3A_169, %get3A_173 : vector<16xf32>
        %max3A_175 = arith.constant 0.000000e+00 : f32
        %max3A_176 = vector.broadcast %max3A_175 : f32 to vector<16xf32>
        %max3A_177 = arith.maximumf %add3A_174, %max3A_176 : vector<16xf32>
        %swap3A_178 = arith.index_cast %scan3A_165 : i32 to index
        %swap3A_179 = arith.constant 0 : index
        %swap3A_180 = tpu.vector_load %arg10[%swap3A_178, %swap3A_179] {strides = array<i32>} : memref<80x128xf32, #tpu.memory_space<vmem>>, vector<1x16xf32>,
        %swap3A_181 = vector.shape_cast %swap3A_180 : vector<1x16xf32> to vector<16xf32>
        %swap3A_182 = vector.shape_cast %max3A_177 : vector<16xf32> to vector<1x16xf32>
        tpu.vector_store %arg10[%swap3A_178, %swap3A_179], %swap3A_182 {strides = array<i32>} : memref<80x128xf32, #tpu.memory_space<vmem>>, vector<1x16xf32>,
        %get3A_183 = arith.index_cast %scan3A_165 : i32 to index
        %get3A_184 = arith.constant 16 : index
        %get3A_185 = tpu.vector_load %arg11[%get3A_183, %get3A_184] {strides = array<i32>} : memref<80x128xf32, #tpu.memory_space<vmem>>, vector<1x16xf32>,
        %get3A_186 = vector.shape_cast %get3A_185 : vector<1x16xf32> to vector<16xf32>
        %get3A_187 = arith.index_cast %scan3A_165 : i32 to index
        %get3A_188 = arith.constant 16 : index
        %get3A_189 = tpu.vector_load %arg10[%get3A_187, %get3A_188] {strides = array<i32>} : memref<80x128xf32, #tpu.memory_space<vmem>>, vector<1x16xf32>,
        %get3A_190 = vector.shape_cast %get3A_189 : vector<1x16xf32> to vector<16xf32>
        %add3A_191 = arith.addf %get3A_186, %get3A_190 : vector<16xf32>
        %max3A_192 = arith.constant 0.000000e+00 : f32
        %max3A_193 = vector.broadcast %max3A_192 : f32 to vector<16xf32>
        %max3A_194 = arith.maximumf %add3A_191, %max3A_193 : vector<16xf32>
        %swap3A_195 = arith.index_cast %scan3A_165 : i32 to index
        %swap3A_196 = arith.constant 16 : index
        %swap3A_197 = tpu.vector_load %arg10[%swap3A_195, %swap3A_196] {strides = array<i32>} : memref<80x128xf32, #tpu.memory_space<vmem>>, vector<1x16xf32>,
        %swap3A_198 = vector.shape_cast %swap3A_197 : vector<1x16xf32> to vector<16xf32>
        %swap3A_199 = vector.shape_cast %max3A_194 : vector<16xf32> to vector<1x16xf32>
        tpu.vector_store %arg10[%swap3A_195, %swap3A_196], %swap3A_199 {strides = array<i32>} : memref<80x128xf32, #tpu.memory_space<vmem>>, vector<1x16xf32>,
        %get3A_200 = arith.index_cast %scan3A_165 : i32 to index
        %get3A_201 = arith.constant 32 : index
        %get3A_202 = tpu.vector_load %arg11[%get3A_200, %get3A_201] {strides = array<i32>} : memref<80x128xf32, #tpu.memory_space<vmem>>, vector<1x16xf32>,
        %get3A_203 = vector.shape_cast %get3A_202 : vector<1x16xf32> to vector<16xf32>
        %get3A_204 = arith.index_cast %scan3A_165 : i32 to index
        %get3A_205 = arith.constant 32 : index
        %get3A_206 = tpu.vector_load %arg10[%get3A_204, %get3A_205] {strides = array<i32>} : memref<80x128xf32, #tpu.memory_space<vmem>>, vector<1x16xf32>,
        %get3A_207 = vector.shape_cast %get3A_206 : vector<1x16xf32> to vector<16xf32>
        %add3A_208 = arith.addf %get3A_203, %get3A_207 : vector<16xf32>
        %max3A_209 = arith.constant 0.000000e+00 : f32
        %max3A_210 = vector.broadcast %max3A_209 : f32 to vector<16xf32>
        %max3A_211 = arith.maximumf %add3A_208, %max3A_210 : vector<16xf32>
        %swap3A_212 = arith.index_cast %scan3A_165 : i32 to index
        %swap3A_213 = arith.constant 32 : index
        %swap3A_214 = tpu.vector_load %arg10[%swap3A_212, %swap3A_213] {strides = array<i32>} : memref<80x128xf32, #tpu.memory_space<vmem>>, vector<1x16xf32>,
        %swap3A_215 = vector.shape_cast %swap3A_214 : vector<1x16xf32> to vector<16xf32>
        %swap3A_216 = vector.shape_cast %max3A_211 : vector<16xf32> to vector<1x16xf32>
        tpu.vector_store %arg10[%swap3A_212, %swap3A_213], %swap3A_216 {strides = array<i32>} : memref<80x128xf32, #tpu.memory_space<vmem>>, vector<1x16xf32>,
        %get3A_217 = arith.index_cast %scan3A_165 : i32 to index
        %get3A_218 = arith.constant 48 : index
        %get3A_219 = tpu.vector_load %arg11[%get3A_217, %get3A_218] {strides = array<i32>} : memref<80x128xf32, #tpu.memory_space<vmem>>, vector<1x16xf32>,
        %get3A_220 = vector.shape_cast %get3A_219 : vector<1x16xf32> to vector<16xf32>
        %get3A_221 = arith.index_cast %scan3A_165 : i32 to index
        %get3A_222 = arith.constant 48 : index
        %get3A_223 = tpu.vector_load %arg10[%get3A_221, %get3A_222] {strides = array<i32>} : memref<80x128xf32, #tpu.memory_space<vmem>>, vector<1x16xf32>,
        %get3A_224 = vector.shape_cast %get3A_223 : vector<1x16xf32> to vector<16xf32>
        %add3A_225 = arith.addf %get3A_220, %get3A_224 : vector<16xf32>
        %max3A_226 = arith.constant 0.000000e+00 : f32
        %max3A_227 = vector.broadcast %max3A_226 : f32 to vector<16xf32>
        %max3A_228 = arith.maximumf %add3A_225, %max3A_227 : vector<16xf32>
        %swap3A_229 = arith.index_cast %scan3A_165 : i32 to index
        %swap3A_230 = arith.constant 48 : index
        %swap3A_231 = tpu.vector_load %arg10[%swap3A_229, %swap3A_230] {strides = array<i32>} : memref<80x128xf32, #tpu.memory_space<vmem>>, vector<1x16xf32>,
        %swap3A_232 = vector.shape_cast %swap3A_231 : vector<1x16xf32> to vector<16xf32>
        %swap3A_233 = vector.shape_cast %max3A_228 : vector<16xf32> to vector<1x16xf32>
        tpu.vector_store %arg10[%swap3A_229, %swap3A_230], %swap3A_233 {strides = array<i32>} : memref<80x128xf32, #tpu.memory_space<vmem>>, vector<1x16xf32>,
        %get3A_234 = arith.index_cast %scan3A_165 : i32 to index
        %get3A_235 = arith.constant 64 : index
        %get3A_236 = tpu.vector_load %arg11[%get3A_234, %get3A_235] {strides = array<i32>} : memref<80x128xf32, #tpu.memory_space<vmem>>, vector<1x16xf32>,
        %get3A_237 = vector.shape_cast %get3A_236 : vector<1x16xf32> to vector<16xf32>
        %get3A_238 = arith.index_cast %scan3A_165 : i32 to index
        %get3A_239 = arith.constant 64 : index
        %get3A_240 = tpu.vector_load %arg10[%get3A_238, %get3A_239] {strides = array<i32>} : memref<80x128xf32, #tpu.memory_space<vmem>>, vector<1x16xf32>,
        %get3A_241 = vector.shape_cast %get3A_240 : vector<1x16xf32> to vector<16xf32>
        %add3A_242 = arith.addf %get3A_237, %get3A_241 : vector<16xf32>
        %max3A_243 = arith.constant 0.000000e+00 : f32
        %max3A_244 = vector.broadcast %max3A_243 : f32 to vector<16xf32>
        %max3A_245 = arith.maximumf %add3A_242, %max3A_244 : vector<16xf32>
        %swap3A_246 = arith.index_cast %scan3A_165 : i32 to index
        %swap3A_247 = arith.constant 64 : index
        %swap3A_248 = tpu.vector_load %arg10[%swap3A_246, %swap3A_247] {strides = array<i32>} : memref<80x128xf32, #tpu.memory_space<vmem>>, vector<1x16xf32>,
        %swap3A_249 = vector.shape_cast %swap3A_248 : vector<1x16xf32> to vector<16xf32>
        %swap3A_250 = vector.shape_cast %max3A_245 : vector<16xf32> to vector<1x16xf32>
        tpu.vector_store %arg10[%swap3A_246, %swap3A_247], %swap3A_250 {strides = array<i32>} : memref<80x128xf32, #tpu.memory_space<vmem>>, vector<1x16xf32>,
        %get3A_251 = arith.index_cast %scan3A_165 : i32 to index
        %get3A_252 = arith.constant 80 : index
        %get3A_253 = tpu.vector_load %arg11[%get3A_251, %get3A_252] {strides = array<i32>} : memref<80x128xf32, #tpu.memory_space<vmem>>, vector<1x16xf32>,
        %get3A_254 = vector.shape_cast %get3A_253 : vector<1x16xf32> to vector<16xf32>
        %get3A_255 = arith.index_cast %scan3A_165 : i32 to index
        %get3A_256 = arith.constant 80 : index
        %get3A_257 = tpu.vector_load %arg10[%get3A_255, %get3A_256] {strides = array<i32>} : memref<80x128xf32, #tpu.memory_space<vmem>>, vector<1x16xf32>,
        %get3A_258 = vector.shape_cast %get3A_257 : vector<1x16xf32> to vector<16xf32>
        %add3A_259 = arith.addf %get3A_254, %get3A_258 : vector<16xf32>
        %max3A_260 = arith.constant 0.000000e+00 : f32
        %max3A_261 = vector.broadcast %max3A_260 : f32 to vector<16xf32>
        %max3A_262 = arith.maximumf %add3A_259, %max3A_261 : vector<16xf32>
        %swap3A_263 = arith.index_cast %scan3A_165 : i32 to index
        %swap3A_264 = arith.constant 80 : index
        %swap3A_265 = tpu.vector_load %arg10[%swap3A_263, %swap3A_264] {strides = array<i32>} : memref<80x128xf32, #tpu.memory_space<vmem>>, vector<1x16xf32>,
        %swap3A_266 = vector.shape_cast %swap3A_265 : vector<1x16xf32> to vector<16xf32>
        %swap3A_267 = vector.shape_cast %max3A_262 : vector<16xf32> to vector<1x16xf32>
        tpu.vector_store %arg10[%swap3A_263, %swap3A_264], %swap3A_267 {strides = array<i32>} : memref<80x128xf32, #tpu.memory_space<vmem>>, vector<1x16xf32>,
        %get3A_268 = arith.index_cast %scan3A_165 : i32 to index
        %get3A_269 = arith.constant 96 : index
        %get3A_270 = tpu.vector_load %arg11[%get3A_268, %get3A_269] {strides = array<i32>} : memref<80x128xf32, #tpu.memory_space<vmem>>, vector<1x16xf32>,
        %get3A_271 = vector.shape_cast %get3A_270 : vector<1x16xf32> to vector<16xf32>
        %get3A_272 = arith.index_cast %scan3A_165 : i32 to index
        %get3A_273 = arith.constant 96 : index
        %get3A_274 = tpu.vector_load %arg10[%get3A_272, %get3A_273] {strides = array<i32>} : memref<80x128xf32, #tpu.memory_space<vmem>>, vector<1x16xf32>,
        %get3A_275 = vector.shape_cast %get3A_274 : vector<1x16xf32> to vector<16xf32>
        %add3A_276 = arith.addf %get3A_271, %get3A_275 : vector<16xf32>
        %max3A_277 = arith.constant 0.000000e+00 : f32
        %max3A_278 = vector.broadcast %max3A_277 : f32 to vector<16xf32>
        %max3A_279 = arith.maximumf %add3A_276, %max3A_278 : vector<16xf32>
        %swap3A_280 = arith.index_cast %scan3A_165 : i32 to index
        %swap3A_281 = arith.constant 96 : index
        %swap3A_282 = tpu.vector_load %arg10[%swap3A_280, %swap3A_281] {strides = array<i32>} : memref<80x128xf32, #tpu.memory_space<vmem>>, vector<1x16xf32>,
        %swap3A_283 = vector.shape_cast %swap3A_282 : vector<1x16xf32> to vector<16xf32>
        %swap3A_284 = vector.shape_cast %max3A_279 : vector<16xf32> to vector<1x16xf32>
        tpu.vector_store %arg10[%swap3A_280, %swap3A_281], %swap3A_284 {strides = array<i32>} : memref<80x128xf32, #tpu.memory_space<vmem>>, vector<1x16xf32>,
        %get3A_285 = arith.index_cast %scan3A_165 : i32 to index
        %get3A_286 = arith.constant 112 : index
        %get3A_287 = tpu.vector_load %arg11[%get3A_285, %get3A_286] {strides = array<i32>} : memref<80x128xf32, #tpu.memory_space<vmem>>, vector<1x16xf32>,
        %get3A_288 = vector.shape_cast %get3A_287 : vector<1x16xf32> to vector<16xf32>
        %get3A_289 = arith.index_cast %scan3A_165 : i32 to index
        %get3A_290 = arith.constant 112 : index
        %get3A_291 = tpu.vector_load %arg10[%get3A_289, %get3A_290] {strides = array<i32>} : memref<80x128xf32, #tpu.memory_space<vmem>>, vector<1x16xf32>,
        %get3A_292 = vector.shape_cast %get3A_291 : vector<1x16xf32> to vector<16xf32>
        %add3A_293 = arith.addf %get3A_288, %get3A_292 : vector<16xf32>
        %max3A_294 = arith.constant 0.000000e+00 : f32
        %max3A_295 = vector.broadcast %max3A_294 : f32 to vector<16xf32>
        %max3A_296 = arith.maximumf %add3A_293, %max3A_295 : vector<16xf32>
        %swap3A_297 = arith.index_cast %scan3A_165 : i32 to index
        %swap3A_298 = arith.constant 112 : index
        %swap3A_299 = tpu.vector_load %arg10[%swap3A_297, %swap3A_298] {strides = array<i32>} : memref<80x128xf32, #tpu.memory_space<vmem>>, vector<1x16xf32>,
        %swap3A_300 = vector.shape_cast %swap3A_299 : vector<1x16xf32> to vector<16xf32>
        %swap3A_301 = vector.shape_cast %max3A_296 : vector<16xf32> to vector<1x16xf32>
        tpu.vector_store %arg10[%swap3A_297, %swap3A_298], %swap3A_301 {strides = array<i32>} : memref<80x128xf32, #tpu.memory_space<vmem>>, vector<1x16xf32>,
      }
      %scan3A_29 = arith.constant 80 : i32
      "tpu.region"() ({
        %run_scoped3A = tpu.sem_alloc : memref<!tpu.dma_semaphore, #tpu.memory_space<semaphore_mem>>
        %dma_start3A_30 = arith.constant 0 : i32
        %dma_start3A_31 = arith.constant 0 : i32
        %dma_start3A_32 = tpu.memref_slice %arg12[%dma_start3A_30, %dma_start3A_31] : memref<10240x128xf32, #tpu.memory_space<vmem_shared>> -> memref<10240x128xf32, #tpu.memory_space<vmem_shared>>
        tpu.enqueue_indirect_dma source(%arg10 : memref<80x128xf32, #tpu.memory_space<vmem>>) target(%dma_start3A_32 : memref<10240x128xf32, #tpu.memory_space<vmem_shared>>) offsets(%arg9 : memref<80xi32, #tpu.memory_space<vmem>>) semaphore(%run_scoped3A : memref<!tpu.dma_semaphore, #tpu.memory_space<semaphore_mem>>) {add = true}
        %dma_wait3A_33 = arith.constant 0 : i32
        %dma_wait3A_34 = arith.constant 0 : i32
        %dma_wait3A_35 = tpu.memref_slice %arg12[%dma_wait3A_33, %dma_wait3A_34] : memref<10240x128xf32, #tpu.memory_space<vmem_shared>> -> memref<10240x128xf32, #tpu.memory_space<vmem_shared>>
        tpu.wait_indirect_dma semaphore(%run_scoped3A : memref<!tpu.dma_semaphore, #tpu.memory_space<semaphore_mem>>) src(%arg10 : memref<80x128xf32, #tpu.memory_space<vmem>>) dst(%dma_wait3A_35 : memref<10240x128xf32, #tpu.memory_space<vmem_shared>>)
        tpu.yield
      }) : () -> ()
    }
    %scan3A_9 = arith.constant 125 : i32
    %barrier3A_10 = arith.constant 0 : index
    tpu.barrier barrier_id(%barrier3A_10)
    %mul3A_11 = arith.constant 640 : i32
    %mul3A_12 = arith.muli %arg1, %mul3A_11 : i32
    %mul3A_13 = arith.constant 640 : i32
    %mul3A_14 = arith.muli %arg1, %mul3A_13 : i32
    "tpu.region"() ({
      %run_scoped3A = tpu.sem_alloc : memref<!tpu.dma_semaphore, #tpu.memory_space<semaphore_mem>>
      %dma_start3A = arith.constant 0 : i32
      %dma_start3A_15 = tpu.memref_slice %arg7[%arg0, %mul3A_14, %dma_start3A] : memref<2x10240x128xf32, #tpu.memory_space<hbm>> -> memref<1x640x128xf32, #tpu.memory_space<hbm>>
      %dma_start3A_16 = tpu.memref_squeeze %dma_start3A_15 : memref<1x640x128xf32, #tpu.memory_space<hbm>> -> memref<640x128xf32, #tpu.memory_space<hbm>>
      %dma_start3A_17 = arith.constant 0 : i32
      %dma_start3A_18 = tpu.memref_slice %arg12[%mul3A_12, %dma_start3A_17] : memref<10240x128xf32, #tpu.memory_space<vmem_shared>> -> memref<640x128xf32, #tpu.memory_space<vmem_shared>>
      tpu.enqueue_dma source(%dma_start3A_18 : memref<640x128xf32, #tpu.memory_space<vmem_shared>>) target(%dma_start3A_16 : memref<640x128xf32, #tpu.memory_space<hbm>>) target_semaphore(%run_scoped3A : memref<!tpu.dma_semaphore, #tpu.memory_space<semaphore_mem>>)
      %dma_wait3A = arith.constant 0 : i32
      %dma_wait3A_19 = tpu.memref_slice %arg7[%arg0, %mul3A_14, %dma_wait3A] : memref<2x10240x128xf32, #tpu.memory_space<hbm>> -> memref<1x640x128xf32, #tpu.memory_space<hbm>>
      %dma_wait3A_20 = tpu.memref_squeeze %dma_wait3A_19 : memref<1x640x128xf32, #tpu.memory_space<hbm>> -> memref<640x128xf32, #tpu.memory_space<hbm>>
      %dma_wait3A_21 = arith.constant 0 : i32
      %dma_wait3A_22 = tpu.memref_slice %arg12[%mul3A_12, %dma_wait3A_21] : memref<10240x128xf32, #tpu.memory_space<vmem_shared>> -> memref<640x128xf32, #tpu.memory_space<vmem_shared>>
      tpu.wait_dma2 semaphore(%run_scoped3A : memref<!tpu.dma_semaphore, #tpu.memory_space<semaphore_mem>>) src(%dma_wait3A_22 : memref<640x128xf32, #tpu.memory_space<vmem_shared>>) dst(%dma_wait3A_20 : memref<640x128xf32, #tpu.memory_space<hbm>>)
      tpu.yield
    }) : () -> ()
    return
  }
}

#map = affine_map<(d0, d1) -> (0, 0)>
#map1 = affine_map<(d0, d1) -> (0)>
#map2 = affine_map<(d0, d1) -> (0, 0, 0)>
module attributes {stable_mosaic.version = 14 : i64} {
  func.func @_sc_agg_body(%arg0: i32, %arg1: i32, %arg2: memref<10000x128xf32, #tpu.memory_space<hbm>>, %arg3: memref<320000x128xf32, #tpu.memory_space<hbm>>, %arg4: memref<320000xi32, #tpu.memory_space<hbm>>, %arg5: memref<320000xi32, #tpu.memory_space<hbm>>, %arg6: memref<640x128xf32, #tpu.memory_space<hbm>>, %arg7: memref<2x10240x128xf32, #tpu.memory_space<hbm>>, %arg8: memref<80xi32, #tpu.memory_space<vmem>>, %arg9: memref<80xi32, #tpu.memory_space<vmem>>, %arg10: memref<80x128xf32, #tpu.memory_space<vmem>>, %arg11: memref<80x128xf32, #tpu.memory_space<vmem>>, %arg12: memref<10240x128xf32, #tpu.memory_space<vmem_shared>>, %arg13: memref<!tpu.dma_semaphore, #tpu.memory_space<semaphore_mem>>) attributes {dimension_semantics = [#tpu.dimension_semantics<core_parallel>, #tpu.dimension_semantics<subcore_parallel>], iteration_bounds = array<i64: 2, 16>, scalar_prefetch = 0 : i64, scratch_operands = 6 : i64, tpu.core_type = #tpu.core_type<sc_vector_subcore>, window_params = [{transform_indices = #map}, {transform_indices = #map}, {transform_indices = #map1}, {transform_indices = #map1}, {transform_indices = #map}, {transform_indices = #map2}]} {
    %mul3A = arith.constant 16 : i32
    %mul3A_0 = arith.muli %arg0, %mul3A : i32
    %add3A = arith.addi %mul3A_0, %arg1 : i32
    %mul3A_1 = arith.constant 640 : i32
    %mul3A_2 = arith.muli %arg1, %mul3A_1 : i32
    "tpu.region"() ({
      %run_scoped3A = tpu.sem_alloc : memref<!tpu.dma_semaphore, #tpu.memory_space<semaphore_mem>>
      %dma_start3A = arith.constant 0 : i32
      %dma_start3A_15 = tpu.memref_slice %arg12[%mul3A_2, %dma_start3A] : memref<10240x128xf32, #tpu.memory_space<vmem_shared>> -> memref<640x128xf32, #tpu.memory_space<vmem_shared>>
      tpu.enqueue_dma source(%arg6 : memref<640x128xf32, #tpu.memory_space<hbm>>) target(%dma_start3A_15 : memref<640x128xf32, #tpu.memory_space<vmem_shared>>) target_semaphore(%run_scoped3A : memref<!tpu.dma_semaphore, #tpu.memory_space<semaphore_mem>>)
      %dma_wait3A = arith.constant 0 : i32
      %dma_wait3A_16 = tpu.memref_slice %arg12[%mul3A_2, %dma_wait3A] : memref<10240x128xf32, #tpu.memory_space<vmem_shared>> -> memref<640x128xf32, #tpu.memory_space<vmem_shared>>
      tpu.wait_dma2 semaphore(%run_scoped3A : memref<!tpu.dma_semaphore, #tpu.memory_space<semaphore_mem>>) src(%arg6 : memref<640x128xf32, #tpu.memory_space<hbm>>) dst(%dma_wait3A_16 : memref<640x128xf32, #tpu.memory_space<vmem_shared>>)
      tpu.yield
    }) : () -> ()
    %barrier3A = arith.constant 0 : index
    tpu.barrier barrier_id(%barrier3A)
    %mul3A_3 = arith.constant 10000 : i32
    %mul3A_4 = arith.muli %add3A, %mul3A_3 : i32
    %multiple_of3A = tpu.assume_multiple %mul3A_4, 16 : i32
    %scan3A = arith.constant 0 : i32
    %scan3A_5 = arith.constant 0 : i32
    %scan3A_6 = arith.constant 125 : i32
    %scan3A_7 = arith.addi %scan3A_5, %scan3A_6 : i32
    %scan3A_8 = arith.constant 1 : i32
    scf.for %scan3A_15 = %scan3A_5 to %scan3A_7 step %scan3A_8  : i32 {
      %mul3A_16 = arith.constant 80 : i32
      %mul3A_17 = arith.muli %scan3A_15, %mul3A_16 : i32
      %add3A_18 = arith.addi %multiple_of3A, %mul3A_17 : i32
      %multiple_of3A_19 = tpu.assume_multiple %add3A_18, 16 : i32
      "tpu.region"() ({
        %run_scoped3A = tpu.sem_alloc : memref<!tpu.dma_semaphore, #tpu.memory_space<semaphore_mem>>
        %dma_start3A_30 = tpu.memref_slice %arg4[%multiple_of3A_19] : memref<320000xi32, #tpu.memory_space<hbm>> -> memref<80xi32, #tpu.memory_space<hbm>>
        %dma_start3A_31 = tpu.memref_slice %arg4[%multiple_of3A_19] : memref<320000xi32, #tpu.memory_space<hbm>> -> memref<80xi32, #tpu.memory_space<hbm>>
        tpu.enqueue_dma source(%dma_start3A_31 : memref<80xi32, #tpu.memory_space<hbm>>) target(%arg8 : memref<80xi32, #tpu.memory_space<vmem>>) target_semaphore(%run_scoped3A : memref<!tpu.dma_semaphore, #tpu.memory_space<semaphore_mem>>)
        %dma_wait3A_32 = tpu.memref_slice %arg4[%multiple_of3A_19] : memref<320000xi32, #tpu.memory_space<hbm>> -> memref<80xi32, #tpu.memory_space<hbm>>
        %dma_wait3A_33 = tpu.memref_slice %arg4[%multiple_of3A_19] : memref<320000xi32, #tpu.memory_space<hbm>> -> memref<80xi32, #tpu.memory_space<hbm>>
        tpu.wait_dma2 semaphore(%run_scoped3A : memref<!tpu.dma_semaphore, #tpu.memory_space<semaphore_mem>>) src(%dma_wait3A_33 : memref<80xi32, #tpu.memory_space<hbm>>) dst(%arg8 : memref<80xi32, #tpu.memory_space<vmem>>)
        tpu.yield
      }) : () -> ()
      "tpu.region"() ({
        %run_scoped3A = tpu.sem_alloc : memref<!tpu.dma_semaphore, #tpu.memory_space<semaphore_mem>>
        %dma_start3A_30 = tpu.memref_slice %arg5[%multiple_of3A_19] : memref<320000xi32, #tpu.memory_space<hbm>> -> memref<80xi32, #tpu.memory_space<hbm>>
        %dma_start3A_31 = tpu.memref_slice %arg5[%multiple_of3A_19] : memref<320000xi32, #tpu.memory_space<hbm>> -> memref<80xi32, #tpu.memory_space<hbm>>
        tpu.enqueue_dma source(%dma_start3A_31 : memref<80xi32, #tpu.memory_space<hbm>>) target(%arg9 : memref<80xi32, #tpu.memory_space<vmem>>) target_semaphore(%run_scoped3A : memref<!tpu.dma_semaphore, #tpu.memory_space<semaphore_mem>>)
        %dma_wait3A_32 = tpu.memref_slice %arg5[%multiple_of3A_19] : memref<320000xi32, #tpu.memory_space<hbm>> -> memref<80xi32, #tpu.memory_space<hbm>>
        %dma_wait3A_33 = tpu.memref_slice %arg5[%multiple_of3A_19] : memref<320000xi32, #tpu.memory_space<hbm>> -> memref<80xi32, #tpu.memory_space<hbm>>
        tpu.wait_dma2 semaphore(%run_scoped3A : memref<!tpu.dma_semaphore, #tpu.memory_space<semaphore_mem>>) src(%dma_wait3A_33 : memref<80xi32, #tpu.memory_space<hbm>>) dst(%arg9 : memref<80xi32, #tpu.memory_space<vmem>>)
        tpu.yield
      }) : () -> ()
      "tpu.region"() ({
        %run_scoped3A = tpu.sem_alloc : memref<!tpu.dma_semaphore, #tpu.memory_space<semaphore_mem>>
        %dma_start3A_30 = arith.constant 0 : i32
        %dma_start3A_31 = tpu.memref_slice %arg3[%multiple_of3A_19, %dma_start3A_30] : memref<320000x128xf32, #tpu.memory_space<hbm>> -> memref<80x128xf32, #tpu.memory_space<hbm>>
        %dma_start3A_32 = arith.constant 0 : i32
        %dma_start3A_33 = tpu.memref_slice %arg3[%multiple_of3A_19, %dma_start3A_32] : memref<320000x128xf32, #tpu.memory_space<hbm>> -> memref<80x128xf32, #tpu.memory_space<hbm>>
        tpu.enqueue_dma source(%dma_start3A_33 : memref<80x128xf32, #tpu.memory_space<hbm>>) target(%arg10 : memref<80x128xf32, #tpu.memory_space<vmem>>) target_semaphore(%run_scoped3A : memref<!tpu.dma_semaphore, #tpu.memory_space<semaphore_mem>>)
        %dma_wait3A_34 = arith.constant 0 : i32
        %dma_wait3A_35 = tpu.memref_slice %arg3[%multiple_of3A_19, %dma_wait3A_34] : memref<320000x128xf32, #tpu.memory_space<hbm>> -> memref<80x128xf32, #tpu.memory_space<hbm>>
        %dma_wait3A_36 = arith.constant 0 : i32
        %dma_wait3A_37 = tpu.memref_slice %arg3[%multiple_of3A_19, %dma_wait3A_36] : memref<320000x128xf32, #tpu.memory_space<hbm>> -> memref<80x128xf32, #tpu.memory_space<hbm>>
        tpu.wait_dma2 semaphore(%run_scoped3A : memref<!tpu.dma_semaphore, #tpu.memory_space<semaphore_mem>>) src(%dma_wait3A_37 : memref<80x128xf32, #tpu.memory_space<hbm>>) dst(%arg10 : memref<80x128xf32, #tpu.memory_space<vmem>>)
        tpu.yield
      }) : () -> ()
      %dma_start3A = arith.constant 0 : i32
      %dma_start3A_20 = arith.constant 0 : i32
      %dma_start3A_21 = tpu.memref_slice %arg2[%dma_start3A, %dma_start3A_20] : memref<10000x128xf32, #tpu.memory_space<hbm>> -> memref<10000x128xf32, #tpu.memory_space<hbm>>
      tpu.enqueue_indirect_dma source(%dma_start3A_21 : memref<10000x128xf32, #tpu.memory_space<hbm>>) target(%arg11 : memref<80x128xf32, #tpu.memory_space<vmem>>) offsets(%arg8 : memref<80xi32, #tpu.memory_space<vmem>>) semaphore(%arg13 : memref<!tpu.dma_semaphore, #tpu.memory_space<semaphore_mem>>)
      %dma_wait3A = arith.constant 0 : i32
      %dma_wait3A_22 = arith.constant 0 : i32
      %dma_wait3A_23 = tpu.memref_slice %arg2[%dma_wait3A, %dma_wait3A_22] : memref<10000x128xf32, #tpu.memory_space<hbm>> -> memref<10000x128xf32, #tpu.memory_space<hbm>>
      tpu.wait_indirect_dma semaphore(%arg13 : memref<!tpu.dma_semaphore, #tpu.memory_space<semaphore_mem>>) src(%dma_wait3A_23 : memref<10000x128xf32, #tpu.memory_space<hbm>>) dst(%arg11 : memref<80x128xf32, #tpu.memory_space<vmem>>)
      %scan3A_24 = arith.constant 0 : i32
      %scan3A_25 = arith.constant 0 : i32
      %scan3A_26 = arith.constant 80 : i32
      %scan3A_27 = arith.addi %scan3A_25, %scan3A_26 : i32
      %scan3A_28 = arith.constant 2 : i32
      scf.for %scan3A_30 = %scan3A_25 to %scan3A_27 step %scan3A_28  : i32 {
        %get3A = arith.index_cast %scan3A_30 : i32 to index
        %get3A_31 = arith.constant 0 : index
        %get3A_32 = tpu.vector_load %arg11[%get3A, %get3A_31] {strides = array<i32>} : memref<80x128xf32, #tpu.memory_space<vmem>>, vector<1x16xf32>,
        %get3A_33 = vector.shape_cast %get3A_32 : vector<1x16xf32> to vector<16xf32>
        %get3A_34 = arith.index_cast %scan3A_30 : i32 to index
        %get3A_35 = arith.constant 0 : index
        %get3A_36 = tpu.vector_load %arg10[%get3A_34, %get3A_35] {strides = array<i32>} : memref<80x128xf32, #tpu.memory_space<vmem>>, vector<1x16xf32>,
        %get3A_37 = vector.shape_cast %get3A_36 : vector<1x16xf32> to vector<16xf32>
        %add3A_38 = arith.addf %get3A_33, %get3A_37 : vector<16xf32>
        %max3A = arith.constant 0.000000e+00 : f32
        %max3A_39 = vector.broadcast %max3A : f32 to vector<16xf32>
        %max3A_40 = arith.maximumf %add3A_38, %max3A_39 : vector<16xf32>
        %swap3A = arith.index_cast %scan3A_30 : i32 to index
        %swap3A_41 = arith.constant 0 : index
        %swap3A_42 = tpu.vector_load %arg10[%swap3A, %swap3A_41] {strides = array<i32>} : memref<80x128xf32, #tpu.memory_space<vmem>>, vector<1x16xf32>,
        %swap3A_43 = vector.shape_cast %swap3A_42 : vector<1x16xf32> to vector<16xf32>
        %swap3A_44 = vector.shape_cast %max3A_40 : vector<16xf32> to vector<1x16xf32>
        tpu.vector_store %arg10[%swap3A, %swap3A_41], %swap3A_44 {strides = array<i32>} : memref<80x128xf32, #tpu.memory_space<vmem>>, vector<1x16xf32>,
        %get3A_45 = arith.index_cast %scan3A_30 : i32 to index
        %get3A_46 = arith.constant 16 : index
        %get3A_47 = tpu.vector_load %arg11[%get3A_45, %get3A_46] {strides = array<i32>} : memref<80x128xf32, #tpu.memory_space<vmem>>, vector<1x16xf32>,
        %get3A_48 = vector.shape_cast %get3A_47 : vector<1x16xf32> to vector<16xf32>
        %get3A_49 = arith.index_cast %scan3A_30 : i32 to index
        %get3A_50 = arith.constant 16 : index
        %get3A_51 = tpu.vector_load %arg10[%get3A_49, %get3A_50] {strides = array<i32>} : memref<80x128xf32, #tpu.memory_space<vmem>>, vector<1x16xf32>,
        %get3A_52 = vector.shape_cast %get3A_51 : vector<1x16xf32> to vector<16xf32>
        %add3A_53 = arith.addf %get3A_48, %get3A_52 : vector<16xf32>
        %max3A_54 = arith.constant 0.000000e+00 : f32
        %max3A_55 = vector.broadcast %max3A_54 : f32 to vector<16xf32>
        %max3A_56 = arith.maximumf %add3A_53, %max3A_55 : vector<16xf32>
        %swap3A_57 = arith.index_cast %scan3A_30 : i32 to index
        %swap3A_58 = arith.constant 16 : index
        %swap3A_59 = tpu.vector_load %arg10[%swap3A_57, %swap3A_58] {strides = array<i32>} : memref<80x128xf32, #tpu.memory_space<vmem>>, vector<1x16xf32>,
        %swap3A_60 = vector.shape_cast %swap3A_59 : vector<1x16xf32> to vector<16xf32>
        %swap3A_61 = vector.shape_cast %max3A_56 : vector<16xf32> to vector<1x16xf32>
        tpu.vector_store %arg10[%swap3A_57, %swap3A_58], %swap3A_61 {strides = array<i32>} : memref<80x128xf32, #tpu.memory_space<vmem>>, vector<1x16xf32>,
        %get3A_62 = arith.index_cast %scan3A_30 : i32 to index
        %get3A_63 = arith.constant 32 : index
        %get3A_64 = tpu.vector_load %arg11[%get3A_62, %get3A_63] {strides = array<i32>} : memref<80x128xf32, #tpu.memory_space<vmem>>, vector<1x16xf32>,
        %get3A_65 = vector.shape_cast %get3A_64 : vector<1x16xf32> to vector<16xf32>
        %get3A_66 = arith.index_cast %scan3A_30 : i32 to index
        %get3A_67 = arith.constant 32 : index
        %get3A_68 = tpu.vector_load %arg10[%get3A_66, %get3A_67] {strides = array<i32>} : memref<80x128xf32, #tpu.memory_space<vmem>>, vector<1x16xf32>,
        %get3A_69 = vector.shape_cast %get3A_68 : vector<1x16xf32> to vector<16xf32>
        %add3A_70 = arith.addf %get3A_65, %get3A_69 : vector<16xf32>
        %max3A_71 = arith.constant 0.000000e+00 : f32
        %max3A_72 = vector.broadcast %max3A_71 : f32 to vector<16xf32>
        %max3A_73 = arith.maximumf %add3A_70, %max3A_72 : vector<16xf32>
        %swap3A_74 = arith.index_cast %scan3A_30 : i32 to index
        %swap3A_75 = arith.constant 32 : index
        %swap3A_76 = tpu.vector_load %arg10[%swap3A_74, %swap3A_75] {strides = array<i32>} : memref<80x128xf32, #tpu.memory_space<vmem>>, vector<1x16xf32>,
        %swap3A_77 = vector.shape_cast %swap3A_76 : vector<1x16xf32> to vector<16xf32>
        %swap3A_78 = vector.shape_cast %max3A_73 : vector<16xf32> to vector<1x16xf32>
        tpu.vector_store %arg10[%swap3A_74, %swap3A_75], %swap3A_78 {strides = array<i32>} : memref<80x128xf32, #tpu.memory_space<vmem>>, vector<1x16xf32>,
        %get3A_79 = arith.index_cast %scan3A_30 : i32 to index
        %get3A_80 = arith.constant 48 : index
        %get3A_81 = tpu.vector_load %arg11[%get3A_79, %get3A_80] {strides = array<i32>} : memref<80x128xf32, #tpu.memory_space<vmem>>, vector<1x16xf32>,
        %get3A_82 = vector.shape_cast %get3A_81 : vector<1x16xf32> to vector<16xf32>
        %get3A_83 = arith.index_cast %scan3A_30 : i32 to index
        %get3A_84 = arith.constant 48 : index
        %get3A_85 = tpu.vector_load %arg10[%get3A_83, %get3A_84] {strides = array<i32>} : memref<80x128xf32, #tpu.memory_space<vmem>>, vector<1x16xf32>,
        %get3A_86 = vector.shape_cast %get3A_85 : vector<1x16xf32> to vector<16xf32>
        %add3A_87 = arith.addf %get3A_82, %get3A_86 : vector<16xf32>
        %max3A_88 = arith.constant 0.000000e+00 : f32
        %max3A_89 = vector.broadcast %max3A_88 : f32 to vector<16xf32>
        %max3A_90 = arith.maximumf %add3A_87, %max3A_89 : vector<16xf32>
        %swap3A_91 = arith.index_cast %scan3A_30 : i32 to index
        %swap3A_92 = arith.constant 48 : index
        %swap3A_93 = tpu.vector_load %arg10[%swap3A_91, %swap3A_92] {strides = array<i32>} : memref<80x128xf32, #tpu.memory_space<vmem>>, vector<1x16xf32>,
        %swap3A_94 = vector.shape_cast %swap3A_93 : vector<1x16xf32> to vector<16xf32>
        %swap3A_95 = vector.shape_cast %max3A_90 : vector<16xf32> to vector<1x16xf32>
        tpu.vector_store %arg10[%swap3A_91, %swap3A_92], %swap3A_95 {strides = array<i32>} : memref<80x128xf32, #tpu.memory_space<vmem>>, vector<1x16xf32>,
        %get3A_96 = arith.index_cast %scan3A_30 : i32 to index
        %get3A_97 = arith.constant 64 : index
        %get3A_98 = tpu.vector_load %arg11[%get3A_96, %get3A_97] {strides = array<i32>} : memref<80x128xf32, #tpu.memory_space<vmem>>, vector<1x16xf32>,
        %get3A_99 = vector.shape_cast %get3A_98 : vector<1x16xf32> to vector<16xf32>
        %get3A_100 = arith.index_cast %scan3A_30 : i32 to index
        %get3A_101 = arith.constant 64 : index
        %get3A_102 = tpu.vector_load %arg10[%get3A_100, %get3A_101] {strides = array<i32>} : memref<80x128xf32, #tpu.memory_space<vmem>>, vector<1x16xf32>,
        %get3A_103 = vector.shape_cast %get3A_102 : vector<1x16xf32> to vector<16xf32>
        %add3A_104 = arith.addf %get3A_99, %get3A_103 : vector<16xf32>
        %max3A_105 = arith.constant 0.000000e+00 : f32
        %max3A_106 = vector.broadcast %max3A_105 : f32 to vector<16xf32>
        %max3A_107 = arith.maximumf %add3A_104, %max3A_106 : vector<16xf32>
        %swap3A_108 = arith.index_cast %scan3A_30 : i32 to index
        %swap3A_109 = arith.constant 64 : index
        %swap3A_110 = tpu.vector_load %arg10[%swap3A_108, %swap3A_109] {strides = array<i32>} : memref<80x128xf32, #tpu.memory_space<vmem>>, vector<1x16xf32>,
        %swap3A_111 = vector.shape_cast %swap3A_110 : vector<1x16xf32> to vector<16xf32>
        %swap3A_112 = vector.shape_cast %max3A_107 : vector<16xf32> to vector<1x16xf32>
        tpu.vector_store %arg10[%swap3A_108, %swap3A_109], %swap3A_112 {strides = array<i32>} : memref<80x128xf32, #tpu.memory_space<vmem>>, vector<1x16xf32>,
        %get3A_113 = arith.index_cast %scan3A_30 : i32 to index
        %get3A_114 = arith.constant 80 : index
        %get3A_115 = tpu.vector_load %arg11[%get3A_113, %get3A_114] {strides = array<i32>} : memref<80x128xf32, #tpu.memory_space<vmem>>, vector<1x16xf32>,
        %get3A_116 = vector.shape_cast %get3A_115 : vector<1x16xf32> to vector<16xf32>
        %get3A_117 = arith.index_cast %scan3A_30 : i32 to index
        %get3A_118 = arith.constant 80 : index
        %get3A_119 = tpu.vector_load %arg10[%get3A_117, %get3A_118] {strides = array<i32>} : memref<80x128xf32, #tpu.memory_space<vmem>>, vector<1x16xf32>,
        %get3A_120 = vector.shape_cast %get3A_119 : vector<1x16xf32> to vector<16xf32>
        %add3A_121 = arith.addf %get3A_116, %get3A_120 : vector<16xf32>
        %max3A_122 = arith.constant 0.000000e+00 : f32
        %max3A_123 = vector.broadcast %max3A_122 : f32 to vector<16xf32>
        %max3A_124 = arith.maximumf %add3A_121, %max3A_123 : vector<16xf32>
        %swap3A_125 = arith.index_cast %scan3A_30 : i32 to index
        %swap3A_126 = arith.constant 80 : index
        %swap3A_127 = tpu.vector_load %arg10[%swap3A_125, %swap3A_126] {strides = array<i32>} : memref<80x128xf32, #tpu.memory_space<vmem>>, vector<1x16xf32>,
        %swap3A_128 = vector.shape_cast %swap3A_127 : vector<1x16xf32> to vector<16xf32>
        %swap3A_129 = vector.shape_cast %max3A_124 : vector<16xf32> to vector<1x16xf32>
        tpu.vector_store %arg10[%swap3A_125, %swap3A_126], %swap3A_129 {strides = array<i32>} : memref<80x128xf32, #tpu.memory_space<vmem>>, vector<1x16xf32>,
        %get3A_130 = arith.index_cast %scan3A_30 : i32 to index
        %get3A_131 = arith.constant 96 : index
        %get3A_132 = tpu.vector_load %arg11[%get3A_130, %get3A_131] {strides = array<i32>} : memref<80x128xf32, #tpu.memory_space<vmem>>, vector<1x16xf32>,
        %get3A_133 = vector.shape_cast %get3A_132 : vector<1x16xf32> to vector<16xf32>
        %get3A_134 = arith.index_cast %scan3A_30 : i32 to index
        %get3A_135 = arith.constant 96 : index
        %get3A_136 = tpu.vector_load %arg10[%get3A_134, %get3A_135] {strides = array<i32>} : memref<80x128xf32, #tpu.memory_space<vmem>>, vector<1x16xf32>,
        %get3A_137 = vector.shape_cast %get3A_136 : vector<1x16xf32> to vector<16xf32>
        %add3A_138 = arith.addf %get3A_133, %get3A_137 : vector<16xf32>
        %max3A_139 = arith.constant 0.000000e+00 : f32
        %max3A_140 = vector.broadcast %max3A_139 : f32 to vector<16xf32>
        %max3A_141 = arith.maximumf %add3A_138, %max3A_140 : vector<16xf32>
        %swap3A_142 = arith.index_cast %scan3A_30 : i32 to index
        %swap3A_143 = arith.constant 96 : index
        %swap3A_144 = tpu.vector_load %arg10[%swap3A_142, %swap3A_143] {strides = array<i32>} : memref<80x128xf32, #tpu.memory_space<vmem>>, vector<1x16xf32>,
        %swap3A_145 = vector.shape_cast %swap3A_144 : vector<1x16xf32> to vector<16xf32>
        %swap3A_146 = vector.shape_cast %max3A_141 : vector<16xf32> to vector<1x16xf32>
        tpu.vector_store %arg10[%swap3A_142, %swap3A_143], %swap3A_146 {strides = array<i32>} : memref<80x128xf32, #tpu.memory_space<vmem>>, vector<1x16xf32>,
        %get3A_147 = arith.index_cast %scan3A_30 : i32 to index
        %get3A_148 = arith.constant 112 : index
        %get3A_149 = tpu.vector_load %arg11[%get3A_147, %get3A_148] {strides = array<i32>} : memref<80x128xf32, #tpu.memory_space<vmem>>, vector<1x16xf32>,
        %get3A_150 = vector.shape_cast %get3A_149 : vector<1x16xf32> to vector<16xf32>
        %get3A_151 = arith.index_cast %scan3A_30 : i32 to index
        %get3A_152 = arith.constant 112 : index
        %get3A_153 = tpu.vector_load %arg10[%get3A_151, %get3A_152] {strides = array<i32>} : memref<80x128xf32, #tpu.memory_space<vmem>>, vector<1x16xf32>,
        %get3A_154 = vector.shape_cast %get3A_153 : vector<1x16xf32> to vector<16xf32>
        %add3A_155 = arith.addf %get3A_150, %get3A_154 : vector<16xf32>
        %max3A_156 = arith.constant 0.000000e+00 : f32
        %max3A_157 = vector.broadcast %max3A_156 : f32 to vector<16xf32>
        %max3A_158 = arith.maximumf %add3A_155, %max3A_157 : vector<16xf32>
        %swap3A_159 = arith.index_cast %scan3A_30 : i32 to index
        %swap3A_160 = arith.constant 112 : index
        %swap3A_161 = tpu.vector_load %arg10[%swap3A_159, %swap3A_160] {strides = array<i32>} : memref<80x128xf32, #tpu.memory_space<vmem>>, vector<1x16xf32>,
        %swap3A_162 = vector.shape_cast %swap3A_161 : vector<1x16xf32> to vector<16xf32>
        %swap3A_163 = vector.shape_cast %max3A_158 : vector<16xf32> to vector<1x16xf32>
        tpu.vector_store %arg10[%swap3A_159, %swap3A_160], %swap3A_163 {strides = array<i32>} : memref<80x128xf32, #tpu.memory_space<vmem>>, vector<1x16xf32>,
        %scan3A_164 = arith.constant 1 : i32
        %scan3A_165 = arith.addi %scan3A_30, %scan3A_164 : i32
        %get3A_166 = arith.index_cast %scan3A_165 : i32 to index
        %get3A_167 = arith.constant 0 : index
        %get3A_168 = tpu.vector_load %arg11[%get3A_166, %get3A_167] {strides = array<i32>} : memref<80x128xf32, #tpu.memory_space<vmem>>, vector<1x16xf32>,
        %get3A_169 = vector.shape_cast %get3A_168 : vector<1x16xf32> to vector<16xf32>
        %get3A_170 = arith.index_cast %scan3A_165 : i32 to index
        %get3A_171 = arith.constant 0 : index
        %get3A_172 = tpu.vector_load %arg10[%get3A_170, %get3A_171] {strides = array<i32>} : memref<80x128xf32, #tpu.memory_space<vmem>>, vector<1x16xf32>,
        %get3A_173 = vector.shape_cast %get3A_172 : vector<1x16xf32> to vector<16xf32>
        %add3A_174 = arith.addf %get3A_169, %get3A_173 : vector<16xf32>
        %max3A_175 = arith.constant 0.000000e+00 : f32
        %max3A_176 = vector.broadcast %max3A_175 : f32 to vector<16xf32>
        %max3A_177 = arith.maximumf %add3A_174, %max3A_176 : vector<16xf32>
        %swap3A_178 = arith.index_cast %scan3A_165 : i32 to index
        %swap3A_179 = arith.constant 0 : index
        %swap3A_180 = tpu.vector_load %arg10[%swap3A_178, %swap3A_179] {strides = array<i32>} : memref<80x128xf32, #tpu.memory_space<vmem>>, vector<1x16xf32>,
        %swap3A_181 = vector.shape_cast %swap3A_180 : vector<1x16xf32> to vector<16xf32>
        %swap3A_182 = vector.shape_cast %max3A_177 : vector<16xf32> to vector<1x16xf32>
        tpu.vector_store %arg10[%swap3A_178, %swap3A_179], %swap3A_182 {strides = array<i32>} : memref<80x128xf32, #tpu.memory_space<vmem>>, vector<1x16xf32>,
        %get3A_183 = arith.index_cast %scan3A_165 : i32 to index
        %get3A_184 = arith.constant 16 : index
        %get3A_185 = tpu.vector_load %arg11[%get3A_183, %get3A_184] {strides = array<i32>} : memref<80x128xf32, #tpu.memory_space<vmem>>, vector<1x16xf32>,
        %get3A_186 = vector.shape_cast %get3A_185 : vector<1x16xf32> to vector<16xf32>
        %get3A_187 = arith.index_cast %scan3A_165 : i32 to index
        %get3A_188 = arith.constant 16 : index
        %get3A_189 = tpu.vector_load %arg10[%get3A_187, %get3A_188] {strides = array<i32>} : memref<80x128xf32, #tpu.memory_space<vmem>>, vector<1x16xf32>,
        %get3A_190 = vector.shape_cast %get3A_189 : vector<1x16xf32> to vector<16xf32>
        %add3A_191 = arith.addf %get3A_186, %get3A_190 : vector<16xf32>
        %max3A_192 = arith.constant 0.000000e+00 : f32
        %max3A_193 = vector.broadcast %max3A_192 : f32 to vector<16xf32>
        %max3A_194 = arith.maximumf %add3A_191, %max3A_193 : vector<16xf32>
        %swap3A_195 = arith.index_cast %scan3A_165 : i32 to index
        %swap3A_196 = arith.constant 16 : index
        %swap3A_197 = tpu.vector_load %arg10[%swap3A_195, %swap3A_196] {strides = array<i32>} : memref<80x128xf32, #tpu.memory_space<vmem>>, vector<1x16xf32>,
        %swap3A_198 = vector.shape_cast %swap3A_197 : vector<1x16xf32> to vector<16xf32>
        %swap3A_199 = vector.shape_cast %max3A_194 : vector<16xf32> to vector<1x16xf32>
        tpu.vector_store %arg10[%swap3A_195, %swap3A_196], %swap3A_199 {strides = array<i32>} : memref<80x128xf32, #tpu.memory_space<vmem>>, vector<1x16xf32>,
        %get3A_200 = arith.index_cast %scan3A_165 : i32 to index
        %get3A_201 = arith.constant 32 : index
        %get3A_202 = tpu.vector_load %arg11[%get3A_200, %get3A_201] {strides = array<i32>} : memref<80x128xf32, #tpu.memory_space<vmem>>, vector<1x16xf32>,
        %get3A_203 = vector.shape_cast %get3A_202 : vector<1x16xf32> to vector<16xf32>
        %get3A_204 = arith.index_cast %scan3A_165 : i32 to index
        %get3A_205 = arith.constant 32 : index
        %get3A_206 = tpu.vector_load %arg10[%get3A_204, %get3A_205] {strides = array<i32>} : memref<80x128xf32, #tpu.memory_space<vmem>>, vector<1x16xf32>,
        %get3A_207 = vector.shape_cast %get3A_206 : vector<1x16xf32> to vector<16xf32>
        %add3A_208 = arith.addf %get3A_203, %get3A_207 : vector<16xf32>
        %max3A_209 = arith.constant 0.000000e+00 : f32
        %max3A_210 = vector.broadcast %max3A_209 : f32 to vector<16xf32>
        %max3A_211 = arith.maximumf %add3A_208, %max3A_210 : vector<16xf32>
        %swap3A_212 = arith.index_cast %scan3A_165 : i32 to index
        %swap3A_213 = arith.constant 32 : index
        %swap3A_214 = tpu.vector_load %arg10[%swap3A_212, %swap3A_213] {strides = array<i32>} : memref<80x128xf32, #tpu.memory_space<vmem>>, vector<1x16xf32>,
        %swap3A_215 = vector.shape_cast %swap3A_214 : vector<1x16xf32> to vector<16xf32>
        %swap3A_216 = vector.shape_cast %max3A_211 : vector<16xf32> to vector<1x16xf32>
        tpu.vector_store %arg10[%swap3A_212, %swap3A_213], %swap3A_216 {strides = array<i32>} : memref<80x128xf32, #tpu.memory_space<vmem>>, vector<1x16xf32>,
        %get3A_217 = arith.index_cast %scan3A_165 : i32 to index
        %get3A_218 = arith.constant 48 : index
        %get3A_219 = tpu.vector_load %arg11[%get3A_217, %get3A_218] {strides = array<i32>} : memref<80x128xf32, #tpu.memory_space<vmem>>, vector<1x16xf32>,
        %get3A_220 = vector.shape_cast %get3A_219 : vector<1x16xf32> to vector<16xf32>
        %get3A_221 = arith.index_cast %scan3A_165 : i32 to index
        %get3A_222 = arith.constant 48 : index
        %get3A_223 = tpu.vector_load %arg10[%get3A_221, %get3A_222] {strides = array<i32>} : memref<80x128xf32, #tpu.memory_space<vmem>>, vector<1x16xf32>,
        %get3A_224 = vector.shape_cast %get3A_223 : vector<1x16xf32> to vector<16xf32>
        %add3A_225 = arith.addf %get3A_220, %get3A_224 : vector<16xf32>
        %max3A_226 = arith.constant 0.000000e+00 : f32
        %max3A_227 = vector.broadcast %max3A_226 : f32 to vector<16xf32>
        %max3A_228 = arith.maximumf %add3A_225, %max3A_227 : vector<16xf32>
        %swap3A_229 = arith.index_cast %scan3A_165 : i32 to index
        %swap3A_230 = arith.constant 48 : index
        %swap3A_231 = tpu.vector_load %arg10[%swap3A_229, %swap3A_230] {strides = array<i32>} : memref<80x128xf32, #tpu.memory_space<vmem>>, vector<1x16xf32>,
        %swap3A_232 = vector.shape_cast %swap3A_231 : vector<1x16xf32> to vector<16xf32>
        %swap3A_233 = vector.shape_cast %max3A_228 : vector<16xf32> to vector<1x16xf32>
        tpu.vector_store %arg10[%swap3A_229, %swap3A_230], %swap3A_233 {strides = array<i32>} : memref<80x128xf32, #tpu.memory_space<vmem>>, vector<1x16xf32>,
        %get3A_234 = arith.index_cast %scan3A_165 : i32 to index
        %get3A_235 = arith.constant 64 : index
        %get3A_236 = tpu.vector_load %arg11[%get3A_234, %get3A_235] {strides = array<i32>} : memref<80x128xf32, #tpu.memory_space<vmem>>, vector<1x16xf32>,
        %get3A_237 = vector.shape_cast %get3A_236 : vector<1x16xf32> to vector<16xf32>
        %get3A_238 = arith.index_cast %scan3A_165 : i32 to index
        %get3A_239 = arith.constant 64 : index
        %get3A_240 = tpu.vector_load %arg10[%get3A_238, %get3A_239] {strides = array<i32>} : memref<80x128xf32, #tpu.memory_space<vmem>>, vector<1x16xf32>,
        %get3A_241 = vector.shape_cast %get3A_240 : vector<1x16xf32> to vector<16xf32>
        %add3A_242 = arith.addf %get3A_237, %get3A_241 : vector<16xf32>
        %max3A_243 = arith.constant 0.000000e+00 : f32
        %max3A_244 = vector.broadcast %max3A_243 : f32 to vector<16xf32>
        %max3A_245 = arith.maximumf %add3A_242, %max3A_244 : vector<16xf32>
        %swap3A_246 = arith.index_cast %scan3A_165 : i32 to index
        %swap3A_247 = arith.constant 64 : index
        %swap3A_248 = tpu.vector_load %arg10[%swap3A_246, %swap3A_247] {strides = array<i32>} : memref<80x128xf32, #tpu.memory_space<vmem>>, vector<1x16xf32>,
        %swap3A_249 = vector.shape_cast %swap3A_248 : vector<1x16xf32> to vector<16xf32>
        %swap3A_250 = vector.shape_cast %max3A_245 : vector<16xf32> to vector<1x16xf32>
        tpu.vector_store %arg10[%swap3A_246, %swap3A_247], %swap3A_250 {strides = array<i32>} : memref<80x128xf32, #tpu.memory_space<vmem>>, vector<1x16xf32>,
        %get3A_251 = arith.index_cast %scan3A_165 : i32 to index
        %get3A_252 = arith.constant 80 : index
        %get3A_253 = tpu.vector_load %arg11[%get3A_251, %get3A_252] {strides = array<i32>} : memref<80x128xf32, #tpu.memory_space<vmem>>, vector<1x16xf32>,
        %get3A_254 = vector.shape_cast %get3A_253 : vector<1x16xf32> to vector<16xf32>
        %get3A_255 = arith.index_cast %scan3A_165 : i32 to index
        %get3A_256 = arith.constant 80 : index
        %get3A_257 = tpu.vector_load %arg10[%get3A_255, %get3A_256] {strides = array<i32>} : memref<80x128xf32, #tpu.memory_space<vmem>>, vector<1x16xf32>,
        %get3A_258 = vector.shape_cast %get3A_257 : vector<1x16xf32> to vector<16xf32>
        %add3A_259 = arith.addf %get3A_254, %get3A_258 : vector<16xf32>
        %max3A_260 = arith.constant 0.000000e+00 : f32
        %max3A_261 = vector.broadcast %max3A_260 : f32 to vector<16xf32>
        %max3A_262 = arith.maximumf %add3A_259, %max3A_261 : vector<16xf32>
        %swap3A_263 = arith.index_cast %scan3A_165 : i32 to index
        %swap3A_264 = arith.constant 80 : index
        %swap3A_265 = tpu.vector_load %arg10[%swap3A_263, %swap3A_264] {strides = array<i32>} : memref<80x128xf32, #tpu.memory_space<vmem>>, vector<1x16xf32>,
        %swap3A_266 = vector.shape_cast %swap3A_265 : vector<1x16xf32> to vector<16xf32>
        %swap3A_267 = vector.shape_cast %max3A_262 : vector<16xf32> to vector<1x16xf32>
        tpu.vector_store %arg10[%swap3A_263, %swap3A_264], %swap3A_267 {strides = array<i32>} : memref<80x128xf32, #tpu.memory_space<vmem>>, vector<1x16xf32>,
        %get3A_268 = arith.index_cast %scan3A_165 : i32 to index
        %get3A_269 = arith.constant 96 : index
        %get3A_270 = tpu.vector_load %arg11[%get3A_268, %get3A_269] {strides = array<i32>} : memref<80x128xf32, #tpu.memory_space<vmem>>, vector<1x16xf32>,
        %get3A_271 = vector.shape_cast %get3A_270 : vector<1x16xf32> to vector<16xf32>
        %get3A_272 = arith.index_cast %scan3A_165 : i32 to index
        %get3A_273 = arith.constant 96 : index
        %get3A_274 = tpu.vector_load %arg10[%get3A_272, %get3A_273] {strides = array<i32>} : memref<80x128xf32, #tpu.memory_space<vmem>>, vector<1x16xf32>,
        %get3A_275 = vector.shape_cast %get3A_274 : vector<1x16xf32> to vector<16xf32>
        %add3A_276 = arith.addf %get3A_271, %get3A_275 : vector<16xf32>
        %max3A_277 = arith.constant 0.000000e+00 : f32
        %max3A_278 = vector.broadcast %max3A_277 : f32 to vector<16xf32>
        %max3A_279 = arith.maximumf %add3A_276, %max3A_278 : vector<16xf32>
        %swap3A_280 = arith.index_cast %scan3A_165 : i32 to index
        %swap3A_281 = arith.constant 96 : index
        %swap3A_282 = tpu.vector_load %arg10[%swap3A_280, %swap3A_281] {strides = array<i32>} : memref<80x128xf32, #tpu.memory_space<vmem>>, vector<1x16xf32>,
        %swap3A_283 = vector.shape_cast %swap3A_282 : vector<1x16xf32> to vector<16xf32>
        %swap3A_284 = vector.shape_cast %max3A_279 : vector<16xf32> to vector<1x16xf32>
        tpu.vector_store %arg10[%swap3A_280, %swap3A_281], %swap3A_284 {strides = array<i32>} : memref<80x128xf32, #tpu.memory_space<vmem>>, vector<1x16xf32>,
        %get3A_285 = arith.index_cast %scan3A_165 : i32 to index
        %get3A_286 = arith.constant 112 : index
        %get3A_287 = tpu.vector_load %arg11[%get3A_285, %get3A_286] {strides = array<i32>} : memref<80x128xf32, #tpu.memory_space<vmem>>, vector<1x16xf32>,
        %get3A_288 = vector.shape_cast %get3A_287 : vector<1x16xf32> to vector<16xf32>
        %get3A_289 = arith.index_cast %scan3A_165 : i32 to index
        %get3A_290 = arith.constant 112 : index
        %get3A_291 = tpu.vector_load %arg10[%get3A_289, %get3A_290] {strides = array<i32>} : memref<80x128xf32, #tpu.memory_space<vmem>>, vector<1x16xf32>,
        %get3A_292 = vector.shape_cast %get3A_291 : vector<1x16xf32> to vector<16xf32>
        %add3A_293 = arith.addf %get3A_288, %get3A_292 : vector<16xf32>
        %max3A_294 = arith.constant 0.000000e+00 : f32
        %max3A_295 = vector.broadcast %max3A_294 : f32 to vector<16xf32>
        %max3A_296 = arith.maximumf %add3A_293, %max3A_295 : vector<16xf32>
        %swap3A_297 = arith.index_cast %scan3A_165 : i32 to index
        %swap3A_298 = arith.constant 112 : index
        %swap3A_299 = tpu.vector_load %arg10[%swap3A_297, %swap3A_298] {strides = array<i32>} : memref<80x128xf32, #tpu.memory_space<vmem>>, vector<1x16xf32>,
        %swap3A_300 = vector.shape_cast %swap3A_299 : vector<1x16xf32> to vector<16xf32>
        %swap3A_301 = vector.shape_cast %max3A_296 : vector<16xf32> to vector<1x16xf32>
        tpu.vector_store %arg10[%swap3A_297, %swap3A_298], %swap3A_301 {strides = array<i32>} : memref<80x128xf32, #tpu.memory_space<vmem>>, vector<1x16xf32>,
      }
      %scan3A_29 = arith.constant 80 : i32
      "tpu.region"() ({
        %run_scoped3A = tpu.sem_alloc : memref<!tpu.dma_semaphore, #tpu.memory_space<semaphore_mem>>
        %dma_start3A_30 = arith.constant 0 : i32
        %dma_start3A_31 = arith.constant 0 : i32
        %dma_start3A_32 = tpu.memref_slice %arg12[%dma_start3A_30, %dma_start3A_31] : memref<10240x128xf32, #tpu.memory_space<vmem_shared>> -> memref<10240x128xf32, #tpu.memory_space<vmem_shared>>
        tpu.enqueue_indirect_dma source(%arg10 : memref<80x128xf32, #tpu.memory_space<vmem>>) target(%dma_start3A_32 : memref<10240x128xf32, #tpu.memory_space<vmem_shared>>) offsets(%arg9 : memref<80xi32, #tpu.memory_space<vmem>>) semaphore(%run_scoped3A : memref<!tpu.dma_semaphore, #tpu.memory_space<semaphore_mem>>) {add = true}
        %dma_wait3A_33 = arith.constant 0 : i32
        %dma_wait3A_34 = arith.constant 0 : i32
        %dma_wait3A_35 = tpu.memref_slice %arg12[%dma_wait3A_33, %dma_wait3A_34] : memref<10240x128xf32, #tpu.memory_space<vmem_shared>> -> memref<10240x128xf32, #tpu.memory_space<vmem_shared>>
        tpu.wait_indirect_dma semaphore(%run_scoped3A : memref<!tpu.dma_semaphore, #tpu.memory_space<semaphore_mem>>) src(%arg10 : memref<80x128xf32, #tpu.memory_space<vmem>>) dst(%dma_wait3A_35 : memref<10240x128xf32, #tpu.memory_space<vmem_shared>>)
        tpu.yield
      }) : () -> ()
    }
    %scan3A_9 = arith.constant 125 : i32
    %barrier3A_10 = arith.constant 0 : index
    tpu.barrier barrier_id(%barrier3A_10)
    %mul3A_11 = arith.constant 640 : i32
    %mul3A_12 = arith.muli %arg1, %mul3A_11 : i32
    %mul3A_13 = arith.constant 640 : i32
    %mul3A_14 = arith.muli %arg1, %mul3A_13 : i32
    "tpu.region"() ({
      %run_scoped3A = tpu.sem_alloc : memref<!tpu.dma_semaphore, #tpu.memory_space<semaphore_mem>>
      %dma_start3A = arith.constant 0 : i32
      %dma_start3A_15 = tpu.memref_slice %arg7[%arg0, %mul3A_14, %dma_start3A] : memref<2x10240x128xf32, #tpu.memory_space<hbm>> -> memref<1x640x128xf32, #tpu.memory_space<hbm>>
      %dma_start3A_16 = tpu.memref_squeeze %dma_start3A_15 : memref<1x640x128xf32, #tpu.memory_space<hbm>> -> memref<640x128xf32, #tpu.memory_space<hbm>>
      %dma_start3A_17 = arith.constant 0 : i32
      %dma_start3A_18 = tpu.memref_slice %arg12[%mul3A_12, %dma_start3A_17] : memref<10240x128xf32, #tpu.memory_space<vmem_shared>> -> memref<640x128xf32, #tpu.memory_space<vmem_shared>>
      tpu.enqueue_dma source(%dma_start3A_18 : memref<640x128xf32, #tpu.memory_space<vmem_shared>>) target(%dma_start3A_16 : memref<640x128xf32, #tpu.memory_space<hbm>>) target_semaphore(%run_scoped3A : memref<!tpu.dma_semaphore, #tpu.memory_space<semaphore_mem>>)
      %dma_wait3A = arith.constant 0 : i32
      %dma_wait3A_19 = tpu.memref_slice %arg7[%arg0, %mul3A_14, %dma_wait3A] : memref<2x10240x128xf32, #tpu.memory_space<hbm>> -> memref<1x640x128xf32, #tpu.memory_space<hbm>>
      %dma_wait3A_20 = tpu.memref_squeeze %dma_wait3A_19 : memref<1x640x128xf32, #tpu.memory_space<hbm>> -> memref<640x128xf32, #tpu.memory_space<hbm>>
      %dma_wait3A_21 = arith.constant 0 : i32
      %dma_wait3A_22 = tpu.memref_slice %arg12[%mul3A_12, %dma_wait3A_21] : memref<10240x128xf32, #tpu.memory_space<vmem_shared>> -> memref<640x128xf32, #tpu.memory_space<vmem_shared>>
      tpu.wait_dma2 semaphore(%run_scoped3A : memref<!tpu.dma_semaphore, #tpu.memory_space<semaphore_mem>>) src(%dma_wait3A_22 : memref<640x128xf32, #tpu.memory_space<vmem_shared>>) dst(%dma_wait3A_20 : memref<640x128xf32, #tpu.memory_space<hbm>>)
      tpu.yield
    }) : () -> ()
    return
  }
}

module attributes {stable_mosaic.version = 14 : i64} {
  func.func @_edge_proj_body(%arg0: i32, %arg1: memref<4000x16xf32, #tpu.memory_space<vmem>>, %arg2: memref<16x128xf32, #tpu.memory_space<vmem>>, %arg3: memref<1x128xf32, #tpu.memory_space<vmem>>, %arg4: memref<4000x128xf32, #tpu.memory_space<vmem>>) attributes {dimension_semantics = [#tpu.dimension_semantics<arbitrary>], iteration_bounds = array<i64: 80>, scalar_prefetch = 0 : i64, scratch_operands = 0 : i64, tpu.core_type = #tpu.core_type<tc>, window_params = [{transform_indices = @transform_0, window_bounds = array<i64: 4000, 16>}, {pipeline_mode = #tpu.pipeline_mode<synchronous>, transform_indices = @transform_1, window_bounds = array<i64: 16, 128>}, {pipeline_mode = #tpu.pipeline_mode<synchronous>, transform_indices = @transform_2, window_bounds = array<i64: 1, 128>}, {transform_indices = @transform_3, window_bounds = array<i64: 4000, 128>}]} {
    %get3A = arith.constant 0 : index
    %get3A_0 = arith.constant 0 : index
    %get3A_1 = vector.load %arg1[%get3A, %get3A_0] : memref<4000x16xf32, #tpu.memory_space<vmem>>, vector<4000x16xf32>
    %get3A_2 = arith.constant 0 : index
    %get3A_3 = arith.constant 0 : index
    %get3A_4 = vector.load %arg2[%get3A_2, %get3A_3] : memref<16x128xf32, #tpu.memory_space<vmem>>, vector<16x128xf32>
    %dot_general3A = arith.constant dense<0.000000e+00> : vector<4000x128xf32>
    %dot_general3A_5 = tpu.matmul %get3A_1, %get3A_4, %dot_general3A {dimension_numbers = #tpu.dot_dimension_numbers<[1], [0], [0], [1], [0, 0, 1, 1], [], []>, transpose_lhs_hint = false} : vector<4000x16xf32>, vector<16x128xf32>, vector<4000x128xf32> -> vector<4000x128xf32>
    %get3A_6 = arith.constant 0 : index
    %get3A_7 = arith.constant 0 : index
    %get3A_8 = vector.load %arg3[%get3A_6, %get3A_7] : memref<1x128xf32, #tpu.memory_space<vmem>>, vector<1x128xf32>
    %add3A = vector.broadcast %get3A_8 : vector<1x128xf32> to vector<4000x128xf32>
    %add3A_9 = arith.addf %dot_general3A_5, %add3A : vector<4000x128xf32>
    %swap3A = arith.constant 0 : index
    %swap3A_10 = arith.constant 0 : index
    %swap3A_11 = vector.load %arg4[%swap3A, %swap3A_10] : memref<4000x128xf32, #tpu.memory_space<vmem>>, vector<4000x128xf32>
    tpu.vector_store %arg4[%swap3A, %swap3A_10], %add3A_9 {strides = array<i32>} : memref<4000x128xf32, #tpu.memory_space<vmem>>, vector<4000x128xf32>,
    return
  }
  func.func @transform_0(%arg0: i32) -> (i32, i32) {
    %c0_i32 = arith.constant 0 : i32
    %c0_i32_0 = arith.constant 0 : i32
    return %arg0, %c0_i32 : i32, i32
  }
  func.func @transform_1(%arg0: i32) -> (i32, i32) {
    %c0_i32 = arith.constant 0 : i32
    %c0_i32_0 = arith.constant 0 : i32
    %c0_i32_1 = arith.constant 0 : i32
    return %c0_i32, %c0_i32_0 : i32, i32
  }
  func.func @transform_2(%arg0: i32) -> (i32, i32) {
    %c0_i32 = arith.constant 0 : i32
    %c0_i32_0 = arith.constant 0 : i32
    %c0_i32_1 = arith.constant 0 : i32
    return %c0_i32, %c0_i32_0 : i32, i32
  }
  func.func @transform_3(%arg0: i32) -> (i32, i32) {
    %c0_i32 = arith.constant 0 : i32
    %c0_i32_0 = arith.constant 0 : i32
    return %arg0, %c0_i32 : i32, i32
  }
}

module attributes {stable_mosaic.version = 14 : i64} {
  func.func @_node_body(%arg0: i32, %arg1: memref<2000x128xf32, #tpu.memory_space<vmem>>, %arg2: memref<2000x128xf32, #tpu.memory_space<vmem>>, %arg3: memref<2000x128xf32, #tpu.memory_space<vmem>>, %arg4: memref<128x128xf32, #tpu.memory_space<vmem>>, %arg5: memref<1x128xf32, #tpu.memory_space<vmem>>, %arg6: memref<2000x128xf32, #tpu.memory_space<vmem>>) attributes {dimension_semantics = [#tpu.dimension_semantics<arbitrary>], iteration_bounds = array<i64: 5>, scalar_prefetch = 0 : i64, scratch_operands = 0 : i64, tpu.core_type = #tpu.core_type<tc>, window_params = [{transform_indices = @transform_0, window_bounds = array<i64: 2000, 128>}, {transform_indices = @transform_1, window_bounds = array<i64: 2000, 128>}, {transform_indices = @transform_2, window_bounds = array<i64: 2000, 128>}, {pipeline_mode = #tpu.pipeline_mode<synchronous>, transform_indices = @transform_3, window_bounds = array<i64: 128, 128>}, {pipeline_mode = #tpu.pipeline_mode<synchronous>, transform_indices = @transform_4, window_bounds = array<i64: 1, 128>}, {transform_indices = @transform_5, window_bounds = array<i64: 2000, 128>}]} {
    %get3A = arith.constant 0 : index
    %get3A_0 = arith.constant 0 : index
    %get3A_1 = vector.load %arg1[%get3A, %get3A_0] : memref<2000x128xf32, #tpu.memory_space<vmem>>, vector<2000x128xf32>
    %get3A_2 = arith.constant 0 : index
    %get3A_3 = arith.constant 0 : index
    %get3A_4 = vector.load %arg2[%get3A_2, %get3A_3] : memref<2000x128xf32, #tpu.memory_space<vmem>>, vector<2000x128xf32>
    %add3A = arith.addf %get3A_1, %get3A_4 : vector<2000x128xf32>
    %get3A_5 = arith.constant 0 : index
    %get3A_6 = arith.constant 0 : index
    %get3A_7 = vector.load %arg3[%get3A_5, %get3A_6] : memref<2000x128xf32, #tpu.memory_space<vmem>>, vector<2000x128xf32>
    %add3A_8 = arith.addf %add3A, %get3A_7 : vector<2000x128xf32>
    %get3A_9 = arith.constant 0 : index
    %get3A_10 = arith.constant 0 : index
    %get3A_11 = vector.load %arg4[%get3A_9, %get3A_10] : memref<128x128xf32, #tpu.memory_space<vmem>>, vector<128x128xf32>
    %dot_general3A = arith.constant dense<0.000000e+00> : vector<2000x128xf32>
    %dot_general3A_12 = tpu.matmul %add3A_8, %get3A_11, %dot_general3A {dimension_numbers = #tpu.dot_dimension_numbers<[1], [0], [0], [1], [0, 0, 1, 1], [], []>, transpose_lhs_hint = false} : vector<2000x128xf32>, vector<128x128xf32>, vector<2000x128xf32> -> vector<2000x128xf32>
    %get3A_13 = arith.constant 0 : index
    %get3A_14 = arith.constant 0 : index
    %get3A_15 = vector.load %arg5[%get3A_13, %get3A_14] : memref<1x128xf32, #tpu.memory_space<vmem>>, vector<1x128xf32>
    %add3A_16 = vector.broadcast %get3A_15 : vector<1x128xf32> to vector<2000x128xf32>
    %add3A_17 = arith.addf %dot_general3A_12, %add3A_16 : vector<2000x128xf32>
    %max3A = arith.constant 0.000000e+00 : f32
    %max3A_18 = vector.broadcast %max3A : f32 to vector<2000x128xf32>
    %max3A_19 = arith.maximumf %add3A_17, %max3A_18 : vector<2000x128xf32>
    %swap3A = arith.constant 0 : index
    %swap3A_20 = arith.constant 0 : index
    %swap3A_21 = vector.load %arg6[%swap3A, %swap3A_20] : memref<2000x128xf32, #tpu.memory_space<vmem>>, vector<2000x128xf32>
    tpu.vector_store %arg6[%swap3A, %swap3A_20], %max3A_19 {strides = array<i32>} : memref<2000x128xf32, #tpu.memory_space<vmem>>, vector<2000x128xf32>,
    return
  }
  func.func @transform_0(%arg0: i32) -> (i32, i32) {
    %c0_i32 = arith.constant 0 : i32
    %c0_i32_0 = arith.constant 0 : i32
    return %arg0, %c0_i32 : i32, i32
  }
  func.func @transform_1(%arg0: i32) -> (i32, i32) {
    %c0_i32 = arith.constant 0 : i32
    %c0_i32_0 = arith.constant 0 : i32
    return %arg0, %c0_i32 : i32, i32
  }
  func.func @transform_2(%arg0: i32) -> (i32, i32) {
    %c0_i32 = arith.constant 0 : i32
    %c0_i32_0 = arith.constant 0 : i32
    return %arg0, %c0_i32 : i32, i32
  }
  func.func @transform_3(%arg0: i32) -> (i32, i32) {
    %c0_i32 = arith.constant 0 : i32
    %c0_i32_0 = arith.constant 0 : i32
    %c0_i32_1 = arith.constant 0 : i32
    return %c0_i32, %c0_i32_0 : i32, i32
  }
  func.func @transform_4(%arg0: i32) -> (i32, i32) {
    %c0_i32 = arith.constant 0 : i32
    %c0_i32_0 = arith.constant 0 : i32
    %c0_i32_1 = arith.constant 0 : i32
    return %c0_i32, %c0_i32_0 : i32, i32
  }
  func.func @transform_5(%arg0: i32) -> (i32, i32) {
    %c0_i32 = arith.constant 0 : i32
    %c0_i32_0 = arith.constant 0 : i32
    return %arg0, %c0_i32 : i32, i32
  }
}

module attributes {stable_mosaic.version = 14 : i64} {
  func.func @_node_final_body(%arg0: i32, %arg1: memref<2000x128xf32, #tpu.memory_space<vmem>>, %arg2: memref<2000x128xf32, #tpu.memory_space<vmem>>, %arg3: memref<2000x128xf32, #tpu.memory_space<vmem>>, %arg4: memref<128x128xf32, #tpu.memory_space<vmem>>, %arg5: memref<1x128xf32, #tpu.memory_space<vmem>>, %arg6: memref<128x128xf32, #tpu.memory_space<vmem>>, %arg7: memref<1x128xf32, #tpu.memory_space<vmem>>, %arg8: memref<2000x128xf32, #tpu.memory_space<vmem>>) attributes {dimension_semantics = [#tpu.dimension_semantics<arbitrary>], iteration_bounds = array<i64: 5>, scalar_prefetch = 0 : i64, scratch_operands = 0 : i64, tpu.core_type = #tpu.core_type<tc>, window_params = [{transform_indices = @transform_0, window_bounds = array<i64: 2000, 128>}, {transform_indices = @transform_1, window_bounds = array<i64: 2000, 128>}, {transform_indices = @transform_2, window_bounds = array<i64: 2000, 128>}, {pipeline_mode = #tpu.pipeline_mode<synchronous>, transform_indices = @transform_3, window_bounds = array<i64: 128, 128>}, {pipeline_mode = #tpu.pipeline_mode<synchronous>, transform_indices = @transform_4, window_bounds = array<i64: 1, 128>}, {pipeline_mode = #tpu.pipeline_mode<synchronous>, transform_indices = @transform_5, window_bounds = array<i64: 128, 128>}, {pipeline_mode = #tpu.pipeline_mode<synchronous>, transform_indices = @transform_6, window_bounds = array<i64: 1, 128>}, {transform_indices = @transform_7, window_bounds = array<i64: 2000, 128>}]} {
    %get3A = arith.constant 0 : index
    %get3A_0 = arith.constant 0 : index
    %get3A_1 = vector.load %arg1[%get3A, %get3A_0] : memref<2000x128xf32, #tpu.memory_space<vmem>>, vector<2000x128xf32>
    %get3A_2 = arith.constant 0 : index
    %get3A_3 = arith.constant 0 : index
    %get3A_4 = vector.load %arg2[%get3A_2, %get3A_3] : memref<2000x128xf32, #tpu.memory_space<vmem>>, vector<2000x128xf32>
    %add3A = arith.addf %get3A_1, %get3A_4 : vector<2000x128xf32>
    %get3A_5 = arith.constant 0 : index
    %get3A_6 = arith.constant 0 : index
    %get3A_7 = vector.load %arg3[%get3A_5, %get3A_6] : memref<2000x128xf32, #tpu.memory_space<vmem>>, vector<2000x128xf32>
    %add3A_8 = arith.addf %add3A, %get3A_7 : vector<2000x128xf32>
    %get3A_9 = arith.constant 0 : index
    %get3A_10 = arith.constant 0 : index
    %get3A_11 = vector.load %arg4[%get3A_9, %get3A_10] : memref<128x128xf32, #tpu.memory_space<vmem>>, vector<128x128xf32>
    %dot_general3A = arith.constant dense<0.000000e+00> : vector<2000x128xf32>
    %dot_general3A_12 = tpu.matmul %add3A_8, %get3A_11, %dot_general3A {dimension_numbers = #tpu.dot_dimension_numbers<[1], [0], [0], [1], [0, 0, 1, 1], [], []>, transpose_lhs_hint = false} : vector<2000x128xf32>, vector<128x128xf32>, vector<2000x128xf32> -> vector<2000x128xf32>
    %get3A_13 = arith.constant 0 : index
    %get3A_14 = arith.constant 0 : index
    %get3A_15 = vector.load %arg5[%get3A_13, %get3A_14] : memref<1x128xf32, #tpu.memory_space<vmem>>, vector<1x128xf32>
    %add3A_16 = vector.broadcast %get3A_15 : vector<1x128xf32> to vector<2000x128xf32>
    %add3A_17 = arith.addf %dot_general3A_12, %add3A_16 : vector<2000x128xf32>
    %max3A = arith.constant 0.000000e+00 : f32
    %max3A_18 = vector.broadcast %max3A : f32 to vector<2000x128xf32>
    %max3A_19 = arith.maximumf %add3A_17, %max3A_18 : vector<2000x128xf32>
    %get3A_20 = arith.constant 0 : index
    %get3A_21 = arith.constant 0 : index
    %get3A_22 = vector.load %arg6[%get3A_20, %get3A_21] : memref<128x128xf32, #tpu.memory_space<vmem>>, vector<128x128xf32>
    %dot_general3A_23 = arith.constant dense<0.000000e+00> : vector<2000x128xf32>
    %dot_general3A_24 = tpu.matmul %max3A_19, %get3A_22, %dot_general3A_23 {dimension_numbers = #tpu.dot_dimension_numbers<[1], [0], [0], [1], [0, 0, 1, 1], [], []>, transpose_lhs_hint = false} : vector<2000x128xf32>, vector<128x128xf32>, vector<2000x128xf32> -> vector<2000x128xf32>
    %get3A_25 = arith.constant 0 : index
    %get3A_26 = arith.constant 0 : index
    %get3A_27 = vector.load %arg7[%get3A_25, %get3A_26] : memref<1x128xf32, #tpu.memory_space<vmem>>, vector<1x128xf32>
    %add3A_28 = vector.broadcast %get3A_27 : vector<1x128xf32> to vector<2000x128xf32>
    %add3A_29 = arith.addf %dot_general3A_24, %add3A_28 : vector<2000x128xf32>
    %swap3A = arith.constant 0 : index
    %swap3A_30 = arith.constant 0 : index
    %swap3A_31 = vector.load %arg8[%swap3A, %swap3A_30] : memref<2000x128xf32, #tpu.memory_space<vmem>>, vector<2000x128xf32>
    tpu.vector_store %arg8[%swap3A, %swap3A_30], %add3A_29 {strides = array<i32>} : memref<2000x128xf32, #tpu.memory_space<vmem>>, vector<2000x128xf32>,
    return
  }
  func.func @transform_0(%arg0: i32) -> (i32, i32) {
    %c0_i32 = arith.constant 0 : i32
    %c0_i32_0 = arith.constant 0 : i32
    return %arg0, %c0_i32 : i32, i32
  }
  func.func @transform_1(%arg0: i32) -> (i32, i32) {
    %c0_i32 = arith.constant 0 : i32
    %c0_i32_0 = arith.constant 0 : i32
    return %arg0, %c0_i32 : i32, i32
  }
  func.func @transform_2(%arg0: i32) -> (i32, i32) {
    %c0_i32 = arith.constant 0 : i32
    %c0_i32_0 = arith.constant 0 : i32
    return %arg0, %c0_i32 : i32, i32
  }
  func.func @transform_3(%arg0: i32) -> (i32, i32) {
    %c0_i32 = arith.constant 0 : i32
    %c0_i32_0 = arith.constant 0 : i32
    %c0_i32_1 = arith.constant 0 : i32
    return %c0_i32, %c0_i32_0 : i32, i32
  }
  func.func @transform_4(%arg0: i32) -> (i32, i32) {
    %c0_i32 = arith.constant 0 : i32
    %c0_i32_0 = arith.constant 0 : i32
    %c0_i32_1 = arith.constant 0 : i32
    return %c0_i32, %c0_i32_0 : i32, i32
  }
  func.func @transform_5(%arg0: i32) -> (i32, i32) {
    %c0_i32 = arith.constant 0 : i32
    %c0_i32_0 = arith.constant 0 : i32
    %c0_i32_1 = arith.constant 0 : i32
    return %c0_i32, %c0_i32_0 : i32, i32
  }
  func.func @transform_6(%arg0: i32) -> (i32, i32) {
    %c0_i32 = arith.constant 0 : i32
    %c0_i32_0 = arith.constant 0 : i32
    %c0_i32_1 = arith.constant 0 : i32
    return %c0_i32, %c0_i32_0 : i32, i32
  }
  func.func @transform_7(%arg0: i32) -> (i32, i32) {
    %c0_i32 = arith.constant 0 : i32
    %c0_i32_0 = arith.constant 0 : i32
    return %arg0, %c0_i32 : i32, i32
  }
}

</mosaic_0001>

<sc_bundles>
// kernel: kernel.11.cloned.1.call-start
scs
__scs_entry_jumppad:
0x0: {  	(pc) =	sbr.rel $0x88, $3  }
0x1: {  	(tag) =	ssettag $0x0;
	lr =	simm.s32 $0x1  }
0x2: {  	[smem:$0x3F90] =	sst lr;
	_ =	strace $0xD0000000  }
0x3: {  	_ = 	snop  }
0x4: {  	_ = 	snop  }
0x5: {  	_ = 	snop  }
0x6: {  	_ = 	snop  }
0x7: {  	_ = 	snop  }
__scs_overlays_trampoline_lowered:
0x8: {  	[smem:$0x3F9F] =	sst s0  }
0x9: {  	[smem:$0x3FA0] =	sst s1  }
0xa: {  	[smem:$0x3FA1] =	sst s2  }
0xb: {  	[smem:$0x3FA2] =	sst s3  }
0xc: {  	[smem:$0x3FA3] =	sst s4  }
0xd: {  	[smem:$0x3FA4] =	sst s5  }
0xe: {  	[smem:$0x3FA5] =	sst s6  }
0xf: {  	[smem:$0x3FA6] =	sst s7  }
0x10: {  	[smem:$0x3FA7] =	sst s8  }
0x11: {  	[smem:$0x3FA8] =	sst s9;
	s0 =	simm.s32 @!p0 $0x0  }
0x12: {  	s1 =	sld [smem:$0x3F8E];
	s0 =	simm.s32 @p0 $0x1  }
0x13: {  	[smem:$0x3FA9] =	sst s0;
	s0 =	simm.s32 @!p1 $0x0  }
0x14: {  	s2 =	sld [smem:$0x3F8D];
	s0 =	simm.s32 @p1 $0x1  }
0x15: {  	[smem:$0x3FAA] =	sst s0;
	s0 =	simm.s32 @!p2 $0x0  }
0x16: {  	s3 =	sld [smem:$0x3FDB];
	s0 =	simm.s32 @p2 $0x1  }
0x17: {  	s4 =	simm.s32 $0x1BF5;
	[smem:$0x3FAC] =	sst s0  }
0x18: {  	s0 =	sld [smem:$0x3F8F];
	_ =	swait.ge [sflag:s4], $0x0  }
0x19: {  	s7 =	sld [smem:$0x3F90]  }
0x1a: {  	s8 =	sadd.s32 $0xFFFFE003, lr  }
0x1b: {  	s9 =	sadd.s32 $0xFFFFFEF7, lr;
	s5 =	simm.s32 $0xFFFFFFFF;
	p2 =	slt.u32 s8, $0xFFFFF086  }
0x1c: {  	p1 =	slt.u32 s9, $0xF7A;
	s5 =	simm.s32 @!p2 $0x0  }
0x1d: {  	s5 =	simm.s32 @p1 $0x1;
	p0 =	seq.s32 s7, s2  }
0x1e: {  	s7 =	smul.u32 @!p0 $0xF7A, s2;
	p2 =	seq.s32 @!p0 s5, $0x0  }
0x1f: {  	s9 =	smul.u32 $0xF7A, s1;
	s8 =	simm.s32 @!p0 $0x1BF5;
	p2 =	por !p2, p0  }
0x20: {  	[sflag:s8] =	ssyncset.s32 @!p0 $0xFFFFF086;
	s6 =	sadd.s32 @!p0 s3, s7;
	s7 =	simm.s32 @!p0 $0x108  }
0x21: {  	s3 =	sadd.s32 s3, s9;
	s6 =	sadd.s32 @!p0 $0x88, s6;
	s7 =	simm.s32 @p2 $0x1082  }
0x22: {  	[simem:s7], [sflag:s8] =	dma.local @!p0 [hbm:s6], $0xF7A  }
0x23: {  	s9 =	sor.u32 $0xD0000000, s2;
	s6 =	simm.s32 $0x108;
	_ =	swait.ge @!p0 [sflag:s8], $0x0  }
0x24: {  	s3 =	sadd.s32 $0x88, s3;
	s6 =	simm.s32 @!p1 $0x1082;
	[sflag:s4] =	ssyncset.s32 $0xFFFFF086  }
0x25: {  	[simem:s6], [sflag:s4] =	dma.local [hbm:s3], $0xF7A  }
0x26: {  	[smem:$0x3F90] =	sst s1;
	(tag) =	ssettag s2;
	_ =	strace s9  }
0x27: {  	s1 =	sld [smem:$0x3FA0]  }
0x28: {  	s2 =	sld [smem:$0x3FA1]  }
0x29: {  	s4 =	sld [smem:$0x3FA3]  }
0x2a: {  	p0 =	seq.s32 s5, $0x0;
	s5 =	sld [smem:$0x3FA4]  }
0x2b: {  	s6 =	sld [smem:$0x3FA5]  }
0x2c: {  	s7 =	sld [smem:$0x3FA6]  }
0x2d: {  	s3 =	simm.s32 $0x108;
	s8 =	sld [smem:$0x3FA7]  }
0x2e: {  	s3 =	simm.s32 @!p0 $0x1082;
	s9 =	sld [smem:$0x3FA8]  }
0x2f: {  	lr =	sadd.s32 s0, s3;
	s0 =	sld [smem:$0x3F9F]  }
0x30: {  	s3 =	sld [smem:$0x3FA2]  }
0x31: {  	[smem:$0x3FAB] =	sst s10  }
0x32: {  	s10 =	sld [smem:$0x3FA9];
	_ =	sdelay $0x3  }
0x33: {  	p0 =	seq.s32 s10, $0x1;
	s10 =	sld [smem:$0x3FAB];
	_ =	sdelay $0x3  }
0x34: {  	[smem:$0x3FAB] =	sst s10  }
0x35: {  	s10 =	sld [smem:$0x3FAA];
	_ =	sdelay $0x3  }
0x36: {  	p1 =	seq.s32 s10, $0x1;
	s10 =	sld [smem:$0x3FAB];
	_ =	sdelay $0x3  }
0x37: {  	[smem:$0x3FAB] =	sst s10  }
0x38: {  	s10 =	sld [smem:$0x3FAC]  }
0x39: {  	_ = 	snop;
	(pc) =	sbr.ind lr, $3  }
0x3a: {  	_ = 	snop  }
0x3b: {  	_ = 	snop  }
0x3c: {  	p2 =	seq.s32 s10, $0x1;
	s10 =	sld [smem:$0x3FAB]  }
0x3d: {  	_ =	shalt  }
0x3e: {  	_ =	shalt  }
0x3f: {  	_ =	shalt  }
0x40: {  	_ =	shalt  }
0x41: {  	_ =	shalt  }
0x42: {  	_ =	shalt  }
0x43: {  	_ =	shalt  }
0x44: {  	_ =	shalt  }
0x45: {  	_ =	shalt  }
0x46: {  	_ =	shalt  }
0x47: {  	_ =	shalt  }
0x48: {  	_ =	shalt  }
0x49: {  	_ =	shalt  }
0x4a: {  	_ =	shalt  }
0x4b: {  	_ =	shalt  }
0x4c: {  	_ =	shalt  }
0x4d: {  	_ =	shalt  }
0x4e: {  	_ =	shalt  }
0x4f: {  	_ =	shalt  }
0x50: {  	_ =	shalt  }
0x51: {  	_ =	shalt  }
0x52: {  	_ =	shalt  }
0x53: {  	_ =	shalt  }
0x54: {  	_ =	shalt  }
0x55: {  	_ =	shalt  }
0x56: {  	_ =	shalt  }
0x57: {  	_ =	shalt  }
0x58: {  	_ =	shalt  }
0x59: {  	_ =	shalt  }
0x5a: {  	_ =	shalt  }
0x5b: {  	_ =	shalt  }
0x5c: {  	_ =	shalt  }
0x5d: {  	_ =	shalt  }
0x5e: {  	_ =	shalt  }
0x5f: {  	_ =	shalt  }
0x60: {  	_ =	shalt  }
0x61: {  	_ =	shalt  }
0x62: {  	_ =	shalt  }
0x63: {  	_ =	shalt  }
0x64: {  	_ =	shalt  }
0x65: {  	_ =	shalt  }
0x66: {  	_ =	shalt  }
0x67: {  	_ =	shalt  }
0x68: {  	_ =	shalt  }
0x69: {  	_ =	shalt  }
0x6a: {  	_ =	shalt  }
0x6b: {  	_ =	shalt  }
0x6c: {  	_ =	shalt  }
0x6d: {  	_ =	shalt  }
0x6e: {  	_ =	shalt  }
0x6f: {  	_ =	shalt  }
0x70: {  	_ =	shalt  }
0x71: {  	_ =	shalt  }
0x72: {  	_ =	shalt  }
0x73: {  	_ =	shalt  }
0x74: {  	_ =	shalt  }
0x75: {  	_ =	shalt  }
0x76: {  	_ =	shalt  }
0x77: {  	_ =	shalt  }
0x78: {  	_ =	shalt  }
0x79: {  	_ =	shalt  }
0x7a: {  	_ =	shalt  }
0x7b: {  	_ =	shalt  }
0x7c: {  	_ =	shalt  }
0x7d: {  	_ =	shalt  }
0x7e: {  	_ =	shalt  }
0x7f: {  	_ =	shalt  }
0x80: {  	_ =	shalt  }
0x81: {  	_ =	shalt  }
0x82: {  	_ =	shalt  }
0x83: {  	_ =	shalt  }
0x84: {  	_ =	shalt  }
0x85: {  	_ =	shalt  }
0x86: {  	_ =	shalt  }
0x87: {  	_ =	shalt  }
.Lfunc_end0:
.L_simem_size_0:
called_computation_lowered:
.L_overlay_start_0:
0x88: {  	s2 =	sld [smem:$0x3FD9]  }
0x89: {  	s3 =	sld [smem:$0x3FFE];
	_ =	sdelay $0x1  }
0x8a: {  	s1 =	srdreg.scid  }
0x8b: {  	s0 =	sand.u32 $0x1, s1  }
0x8c: {  	s17 =	sshll.u32 s0, $0xA;
	s2 =	sadd.s32 s3, s2  }
0x8d: {  	s2 =	sadd.s32 s2, s17  }
0x8e: {  	[smem:$0x3FB7] =	sst s2  }
0x8f: {  	_ = 	snop  }
0x90: {  	s2 =	sld [smem:$0x3FC9];
	(tm) =	ssettm $0x1  }
0x91: {  	s18 =	sld [smem:$0x3FFB];
	_ =	sdelay $0x3  }
0x92: {  	_ =	strace s18  }
0x93: {  	s3 =	sld [smem:$0x3FFC];
	_ =	sdelay $0x3  }
0x94: {  	_ =	strace s3  }
0x95: {  	s3 =	sld [smem:$0x3FFD];
	_ =	sdelay $0x3  }
0x96: {  	_ =	strace s3  }
0x97: {  	_ =	strace $0x8FFFFFFF  }
0x98: {  	s19 =	sld [smem:$0x3FDB];
	_ =	sdelay $0x1  }
0x99: {  	s4 =	simm.s32 $_scs_section_size  }
0x9a: {  	s5 =	simm.s32 $_size__tile_overlayer_lowered;
	s6 =	simm.s32 $_tile_overlayer_lowered  }
0x9b: {  	s22 =	simm.s32 $0x1BFF;
	s21 =	sshll.u32 s6, $0x1;
	s3 =	sadd.s32 s4, s19  }
0x9c: {  	s7 =	simm.s32 $0x0;
	s20 =	sshll.u32 s5, $0x1;
	s5 =	sadd.s32 s21, s3  }
0x9d: {  	[timem:s7], [sflag:s22] =	dma.local [hbm:s5], s20  }
0x9e: {  	_ =	swait.ge [sflag:s22], s20  }
0x9f: {  	s4 =	ssub.s32 $0x0, s20;
	[sflag:s22] =	ssyncset.done $0x0  }
0xa0: {  	[sflag:s22] =	ssyncadd.s32 s4;
	_ =	sdelay $0x1  }
0xa1: {  	s23 =	simm.s32 $0x1B8B  }
0xa2: {  	_ =	swait.ge [sflag:s23], $0x1  }
0xa3: {  	[sflag:s23] =	ssyncset.done $0x0  }
0xa4: {  	s25 =	simm.s32 $0x1B8E;
	s24 =	sld [smem:$0x3FFE];
	[sflag:s23] =	ssyncadd.s32 $0xFFFFFFFF  }
0xa5: {  	s26 =	simm.s32 $execute0_lowered;
	[smem:$0x3FD2] =	sst s25  }
0xa6: {  	s5 =	sshll.u32 s26, $0x1;
	_ =	strace $0x80000046;
	[dreg:$0x1] =	wrdreg $0xFFFFFFFF  }
0xa7: {  	s28 =	simm.s32 $_size_execute0_lowered;
	s3 =	sadd.s32 s3, s5;
	[dreg:$0x0] =	wrdreg $0x0  }
0xa8: {  	s5 =	sshll.u32 s28, $0x1;
	[dreg:$0x2] =	wrdreg s3  }
0xa9: {  	[dreg:$0x3] =	wrdreg s5  }
0xaa: {  	[dreg:$0x4] =	wrdreg $0xC0  }
0xab: {  	_ =	task [dreg:s7], $0x5FFFF  }
0xac: {  	[dreg:$0x1] =	wrdreg $0xFFFFFFFF  }
0xad: {  	[dreg:$0x0] =	wrdreg $0x60  }
0xae: {  	[dreg:$0x2] =	wrdreg s2  }
0xaf: {  	[dreg:$0x3] =	wrdreg s24  }
0xb0: {  	[dreg:$0x4] =	wrdreg $0x51000  }
0xb1: {  	[dreg:$0x5] =	wrdreg $0x9  }
0xb2: {  	_ =	task.clear_ibuf [dreg:s7], $0x6FFFF;
	_ =	strace $0x90000046  }
0xb3: {  	s29 =	simm.s32 $0x9;
	_ =	strace $0x80000048  }
0xb4: {  	_ =	swait.ge [sflag:s29], $0x1  }
0xb5: {  	[sflag:s29] =	ssyncadd.s32 $0xFFFFFFFF  }
0xb6: {  	_ =	strace $0x90000048  }
0xb7: {  	_ =	sfence  }
0xb8: {  	s30 =	sld [smem:$0x0];
	_ =	sdelay $0x2  }
0xb9: {  	s31 =	sshll.u32 s1, $0xD;
	s1 =	sshrl.u32 s1, $0x2  }
0xba: {  	s3 =	sand.u32 $0x4000, s31;
	s1 =	sadd.s32 s1, s30  }
0xbb: {  	s0 =	sor.u32 s3, s0;
	s1 =	sshll.u32 s1, $0x11  }
0xbc: {  	s0 =	sor.u32 s1, s0  }
0xbd: {  	s0 =	sadd.s32 $0x8F2B, s0  }
0xbe: {  	[sflag:s0] =	ssyncadd.remote.s32 $0x1  }
0xbf: {  	_ =	sfence.sel $0xFFFF  }
0xc0: {  	[dreg:$0x0] =	wrdreg $0xFFFFFFFF;
	(pc) =	sbr.abs _section_cstart, $3  }
0xc1: {  	[dreg:$0x1] =	wrdreg $0xFFFFFFFF  }
0xc2: {  	_ =	task.clear_ibuf [dreg:s7], $0x2FFFF;
	_ =	strace $0x9FFFFFFF  }
0xc3: {  	(tm) =	ssettm $0x7FFFFFFF  }
tec
execute0_lowered:
.L_overlay_start_1:
0x0: {  	(tag) =	ssettag $0x1  }
0x1: {  	s1 =	rddreg [dreg:$0x0]  }
0x2: {  	s9 =	rddreg [dreg:$0x1]  }
0x3: {  	s2 =	rddreg [dreg:$0x2];
	s3 =	srdreg.scid  }
0x4: {  	s0 =	rddreg [dreg:$0x3];
	s4 =	simm.s32 $0x0;
	s15 =	simm.s32 $0x80  }
0x5: {  	s16 =	simm.s32 $0x100;
	s17 =	simm.s32 $0x50;
	s18 =	simm.s32 $0x2900  }
0x6: {  	s19 =	simm.s32 $0x1;
	s20 =	simm.s32 $0x0;
	s10 =	sand.u32 $0x1, s3  }
0x7: {  	s3 =	stileid.u32;
	[smem:$0x7FF] =	sst s4;
	s5 =	sadd.s32 $0x4F8C00, s9  }
0x8: {  	s6 =	sadd.s32 $0xCE00, s9;
	s7 =	sadd.s32 $0x3000, s9;
	s8 =	smul.u32 $0x140000, s10  }
0x9: {  	s11 =	smul.u32 $0x14000, s3;
	_ =	strace $0x80000047;
	s12 =	ssub.s32 $0x2, s10  }
0xa: {  	s13 =	smul.u32 $0x50000, s3;
	s28 =	sshll.u32 s10, $0x4;
	s31 =	sshll.u32 s3, $0x6  }
0xb: {  	s26 =	sshrl.u32 s12, $0x1;
	s30 =	sor.u32 s3, s28;
	s8 =	sadd.s32 s11, s8  }
0xc: {  	s12 =	ssub.s32 s12, s26;
	s29 =	sshrl.u32 s13, $0x2;
	s10 =	smul.u32 $0x2710, s30  }
0xd: {  	s11 =	sshrl.u32 s8, $0x3;
	s8 =	sadd.s32 $0x9DAC00, s9;
	s14 =	sadd.s32 s29, s2  }
0xe: {  	s12 =	smax.u32 s12, $0x1;
	s11 =	sadd.s32 s11, s9;
	s9 =	sor.u32 $0x1C02, s31  }
0xf: {  	s13 =	sshrl.u32 s14, $0x3;
	s14 =	simm.s32 $0x2;
	s11 =	sadd.s32 $0x9DD400, s11  }
.LBB2_1:
0x10: {  	[spmem:s13], [sflag:s9] =	dma.local [hbm:s8], $0x2800  }
0x11: {  	_ =	swait.ge [sflag:s14], $0x2800  }
0x12: {  	[sflag:s14] =	ssyncset.done $0x0  }
0x13: {  	[sflag:s14] =	ssyncadd.s32 $0xFFFFD800  }
0x14: {  	s21 =	simm.s32 $0x0;
	[bflag:$0x0] =	sbarrier.arrive $0xFFFF  }
.LBB2_2:
0x15: {  	s22 =	smul.u32 $0x50, s21;
	_ =	sdelay $0x1  }
0x16: {  	s22 =	sadd.s32 s10, s22  }
0x17: {  	s23 =	sshrl.u32 s22, $0x3  }
0x18: {  	s24 =	sadd.s32 s6, s23  }
0x19: {  	[tilespmem:s4], [sflag:$0x2] =	stream.linear.gather [hbm4b:s24+s4], $0x50, $0x38;
	[tilespmem:$0x19100] =	vst v63  }
0x1a: {  	_ =	swait.ge [sflag:s14], $0x50  }
0x1b: {  	[sflag:s14] =	ssyncset.done $0x0  }
0x1c: {  	s23 =	sadd.s32 s7, s23;
	[sflag:s14] =	ssyncadd.s32 $0xFFFFFFB0  }
0x1d: {  	[tilespmem:s15], [sflag:$0x2] =	stream.linear.gather [hbm4b:s23+s4], $0x50, $0x38;
	[tilespmem:$0x19100] =	vst v63  }
0x1e: {  	_ =	swait.ge [sflag:s14], $0x50  }
0x1f: {  	s22 =	sshll.u32 s22, $0x4;
	[sflag:s14] =	ssyncset.done $0x0  }
0x20: {  	s22 =	sadd.s32 s5, s22;
	[sflag:s14] =	ssyncadd.s32 $0xFFFFFFB0  }
0x21: {  	[tilespmem:s16], [sflag:$0x2] =	stream.linear.gather [hbm4b:s22+s4], $0x2800, $0x38;
	[tilespmem:$0x19100] =	vst v63  }
0x22: {  	_ =	swait.ge [sflag:s14], $0x2800  }
0x23: {  	[sflag:s14] =	ssyncset.done $0x0  }
0x24: {  	[sflag:s14] =	ssyncadd.s32 $0xFFFFD800  }
0x25: {  	[tilespmem:s18], [sflag:$0x1] =	stream.indirect.gather [hbm4b:s1+s17], $0x80, s4, s17, $0xb8;
	[tilespmem:$0x19100] =	vst v63  }
0x26: {  	_ =	swait.ge [sflag:s19], $0x2800  }
0x27: {  	[sflag:s19] =	ssyncset.done $0x0  }
0x28: {  	s22 =	simm.s32 $0x180;
	[sflag:s19] =	ssyncadd.s32 $0xFFFFD800  }
0x29: {  	s23 =	simm.s32 $0x2980;
	v0 =	vld [tilespmem:s22+$0xFFFFFF80]  }
0x2a: {  	v1 =	vld [tilespmem:s23+$0xFFFFFF80];
	_ =	sdelay $0x4  }
0x2b: {  	v0 =	vadd.f32 v0, v1;
	_ =	sdelay $0x1  }
0x2c: {  	v0 =	vmax.f32 v0, $0.0e+00  }
0x2d: {  	[tilespmem:s22+$0xFFFFFF80] =	vst v0;
	v0 =	vld [tilespmem:s22+$0xFFFFFF90]  }
0x2e: {  	v1 =	vld [tilespmem:s23+$0xFFFFFF90];
	_ =	sdelay $0x4  }
0x2f: {  	v0 =	vadd.f32 v0, v1;
	_ =	sdelay $0x1  }
0x30: {  	v0 =	vmax.f32 v0, $0.0e+00  }
0x31: {  	[tilespmem:s22+$0xFFFFFF90] =	vst v0;
	v0 =	vld [tilespmem:s22+$0xFFFFFFA0]  }
0x32: {  	v1 =	vld [tilespmem:s23+$0xFFFFFFA0];
	_ =	sdelay $0x4  }
0x33: {  	v0 =	vadd.f32 v0, v1;
	_ =	sdelay $0x1  }
0x34: {  	v0 =	vmax.f32 v0, $0.0e+00  }
0x35: {  	[tilespmem:s22+$0xFFFFFFA0] =	vst v0;
	v0 =	vld [tilespmem:s22+$0xFFFFFFB0]  }
0x36: {  	v1 =	vld [tilespmem:s23+$0xFFFFFFB0];
	_ =	sdelay $0x4  }
0x37: {  	v0 =	vadd.f32 v0, v1;
	_ =	sdelay $0x1  }
0x38: {  	v0 =	vmax.f32 v0, $0.0e+00  }
0x39: {  	[tilespmem:s22+$0xFFFFFFB0] =	vst v0;
	v0 =	vld [tilespmem:s22+$0xFFFFFFC0]  }
0x3a: {  	v1 =	vld [tilespmem:s23+$0xFFFFFFC0];
	_ =	sdelay $0x4  }
0x3b: {  	v0 =	vadd.f32 v0, v1;
	_ =	sdelay $0x1  }
0x3c: {  	v0 =	vmax.f32 v0, $0.0e+00  }
0x3d: {  	[tilespmem:s22+$0xFFFFFFC0] =	vst v0;
	v0 =	vld [tilespmem:s22+$0xFFFFFFD0]  }
0x3e: {  	v1 =	vld [tilespmem:s23+$0xFFFFFFD0];
	_ =	sdelay $0x4  }
0x3f: {  	v0 =	vadd.f32 v0, v1;
	_ =	sdelay $0x1  }
0x40: {  	v0 =	vmax.f32 v0, $0.0e+00  }
0x41: {  	[tilespmem:s22+$0xFFFFFFD0] =	vst v0;
	v0 =	vld [tilespmem:s22+$0xFFFFFFE0]  }
0x42: {  	v1 =	vld [tilespmem:s23+$0xFFFFFFE0];
	_ =	sdelay $0x4  }
0x43: {  	v0 =	vadd.f32 v0, v1;
	_ =	sdelay $0x1  }
0x44: {  	v0 =	vmax.f32 v0, $0.0e+00  }
0x45: {  	[tilespmem:s22+$0xFFFFFFE0] =	vst v0;
	v0 =	vld [tilespmem:s22+$0xFFFFFFF0]  }
0x46: {  	v1 =	vld [tilespmem:s23+$0xFFFFFFF0];
	_ =	sdelay $0x4  }
0x47: {  	v0 =	vadd.f32 v0, v1;
	_ =	sdelay $0x1  }
0x48: {  	v0 =	vmax.f32 v0, $0.0e+00  }
0x49: {  	[tilespmem:s22+$0xFFFFFFF0] =	vst v0;
	v0 =	vld [tilespmem:s22+$0x0]  }
0x4a: {  	v1 =	vld [tilespmem:s23+$0x0];
	_ =	sdelay $0x4  }
0x4b: {  	v0 =	vadd.f32 v0, v1;
	_ =	sdelay $0x1  }
0x4c: {  	v0 =	vmax.f32 v0, $0.0e+00  }
0x4d: {  	[tilespmem:s22+$0x0] =	vst v0;
	v0 =	vld [tilespmem:s22+$0x10]  }
0x4e: {  	v1 =	vld [tilespmem:s23+$0x10];
	_ =	sdelay $0x4  }
0x4f: {  	v0 =	vadd.f32 v0, v1;
	_ =	sdelay $0x1  }
0x50: {  	v0 =	vmax.f32 v0, $0.0e+00  }
0x51: {  	[tilespmem:s22+$0x10] =	vst v0;
	v0 =	vld [tilespmem:s22+$0x20]  }
0x52: {  	v1 =	vld [tilespmem:s23+$0x20];
	_ =	sdelay $0x4  }
0x53: {  	v0 =	vadd.f32 v0, v1;
	_ =	sdelay $0x1  }
0x54: {  	v0 =	vmax.f32 v0, $0.0e+00  }
0x55: {  	[tilespmem:s22+$0x20] =	vst v0;
	v0 =	vld [tilespmem:s22+$0x30]  }
0x56: {  	v1 =	vld [tilespmem:s23+$0x30];
	_ =	sdelay $0x4  }
0x57: {  	v0 =	vadd.f32 v0, v1;
	_ =	sdelay $0x1  }
0x58: {  	v0 =	vmax.f32 v0, $0.0e+00  }
0x59: {  	[tilespmem:s22+$0x30] =	vst v0;
	v0 =	vld [tilespmem:s22+$0x40]  }
0x5a: {  	v1 =	vld [tilespmem:s23+$0x40];
	_ =	sdelay $0x4  }
0x5b: {  	v0 =	vadd.f32 v0, v1;
	_ =	sdelay $0x1  }
0x5c: {  	v0 =	vmax.f32 v0, $0.0e+00  }
0x5d: {  	[tilespmem:s22+$0x40] =	vst v0;
	v0 =	vld [tilespmem:s22+$0x50]  }
0x5e: {  	v1 =	vld [tilespmem:s23+$0x50];
	_ =	sdelay $0x4  }
0x5f: {  	v0 =	vadd.f32 v0, v1;
	_ =	sdelay $0x1  }
0x60: {  	v0 =	vmax.f32 v0, $0.0e+00  }
0x61: {  	[tilespmem:s22+$0x50] =	vst v0;
	v0 =	vld [tilespmem:s22+$0x60]  }
0x62: {  	v1 =	vld [tilespmem:s23+$0x60];
	_ =	sdelay $0x4  }
0x63: {  	v0 =	vadd.f32 v0, v1;
	_ =	sdelay $0x1  }
0x64: {  	v0 =	vmax.f32 v0, $0.0e+00  }
0x65: {  	[tilespmem:s22+$0x60] =	vst v0;
	v0 =	vld [tilespmem:s22+$0x70]  }
0x66: {  	v1 =	vld [tilespmem:s23+$0x70];
	_ =	sdelay $0x4  }
0x67: {  	v0 =	vadd.f32 v0, v1;
	_ =	sdelay $0x1  }
0x68: {  	s25 =	simm.s32 $0x280;
	s24 =	simm.s32 $0x0;
	v0 =	vmax.f32 v0, $0.0e+00  }
.LBB2_3:
0x69: {  	v1 =	vld [tilespmem:s25+$0xFFFFFF80];
	[tilespmem:s22+$0x70] =	vst v0;
	s23 =	sadd.s32 $0x100, s23;
	s22 =	smov.u32 s25  }
0x6a: {  	s24 =	sadd.s32 $0x2, s24;
	v0 =	vld [tilespmem:s23+$0xFFFFFF80]  }
0x6b: {  	p0 =	slt.u32 s24, $0x4E;
	_ =	sdelay $0x3  }
0x6c: {  	v0 =	vadd.f32 v1, v0;
	_ =	sdelay $0x1  }
0x6d: {  	v0 =	vmax.f32 v0, $0.0e+00  }
0x6e: {  	[tilespmem:s25+$0xFFFFFF80] =	vst v0;
	v0 =	vld [tilespmem:s25+$0xFFFFFF90]  }
0x6f: {  	v1 =	vld [tilespmem:s23+$0xFFFFFF90];
	_ =	sdelay $0x4  }
0x70: {  	v0 =	vadd.f32 v0, v1;
	_ =	sdelay $0x1  }
0x71: {  	v0 =	vmax.f32 v0, $0.0e+00  }
0x72: {  	[tilespmem:s25+$0xFFFFFF90] =	vst v0;
	v0 =	vld [tilespmem:s25+$0xFFFFFFA0]  }
0x73: {  	v1 =	vld [tilespmem:s23+$0xFFFFFFA0];
	_ =	sdelay $0x4  }
0x74: {  	v0 =	vadd.f32 v0, v1;
	_ =	sdelay $0x1  }
0x75: {  	v0 =	vmax.f32 v0, $0.0e+00  }
0x76: {  	[tilespmem:s25+$0xFFFFFFA0] =	vst v0;
	v0 =	vld [tilespmem:s25+$0xFFFFFFB0]  }
0x77: {  	v1 =	vld [tilespmem:s23+$0xFFFFFFB0];
	_ =	sdelay $0x4  }
0x78: {  	v0 =	vadd.f32 v0, v1;
	_ =	sdelay $0x1  }
0x79: {  	v0 =	vmax.f32 v0, $0.0e+00  }
0x7a: {  	[tilespmem:s25+$0xFFFFFFB0] =	vst v0;
	v0 =	vld [tilespmem:s25+$0xFFFFFFC0]  }
0x7b: {  	v1 =	vld [tilespmem:s23+$0xFFFFFFC0];
	_ =	sdelay $0x4  }
0x7c: {  	v0 =	vadd.f32 v0, v1;
	_ =	sdelay $0x1  }
0x7d: {  	v0 =	vmax.f32 v0, $0.0e+00  }
0x7e: {  	[tilespmem:s25+$0xFFFFFFC0] =	vst v0;
	v0 =	vld [tilespmem:s25+$0xFFFFFFD0]  }
0x7f: {  	v1 =	vld [tilespmem:s23+$0xFFFFFFD0];
	_ =	sdelay $0x4  }
0x80: {  	v0 =	vadd.f32 v0, v1;
	_ =	sdelay $0x1  }
0x81: {  	v0 =	vmax.f32 v0, $0.0e+00  }
0x82: {  	[tilespmem:s25+$0xFFFFFFD0] =	vst v0;
	v0 =	vld [tilespmem:s25+$0xFFFFFFE0]  }
0x83: {  	v1 =	vld [tilespmem:s23+$0xFFFFFFE0];
	_ =	sdelay $0x4  }
0x84: {  	v0 =	vadd.f32 v0, v1;
	_ =	sdelay $0x1  }
0x85: {  	v0 =	vmax.f32 v0, $0.0e+00  }
0x86: {  	[tilespmem:s25+$0xFFFFFFE0] =	vst v0;
	v0 =	vld [tilespmem:s25+$0xFFFFFFF0]  }
0x87: {  	v1 =	vld [tilespmem:s23+$0xFFFFFFF0];
	_ =	sdelay $0x4  }
0x88: {  	v0 =	vadd.f32 v0, v1;
	_ =	sdelay $0x1  }
0x89: {  	v0 =	vmax.f32 v0, $0.0e+00  }
0x8a: {  	[tilespmem:s25+$0xFFFFFFF0] =	vst v0;
	v0 =	vld [tilespmem:s25+$0x0]  }
0x8b: {  	v1 =	vld [tilespmem:s23+$0x0];
	_ =	sdelay $0x4  }
0x8c: {  	v0 =	vadd.f32 v0, v1;
	_ =	sdelay $0x1  }
0x8d: {  	v0 =	vmax.f32 v0, $0.0e+00  }
0x8e: {  	[tilespmem:s25+$0x0] =	vst v0;
	v0 =	vld [tilespmem:s25+$0x10]  }
0x8f: {  	v1 =	vld [tilespmem:s23+$0x10];
	_ =	sdelay $0x4  }
0x90: {  	v0 =	vadd.f32 v0, v1;
	_ =	sdelay $0x1  }
0x91: {  	v0 =	vmax.f32 v0, $0.0e+00  }
0x92: {  	[tilespmem:s25+$0x10] =	vst v0;
	v0 =	vld [tilespmem:s25+$0x20]  }
0x93: {  	v1 =	vld [tilespmem:s23+$0x20];
	_ =	sdelay $0x4  }
0x94: {  	v0 =	vadd.f32 v0, v1;
	_ =	sdelay $0x1  }
0x95: {  	v0 =	vmax.f32 v0, $0.0e+00  }
0x96: {  	[tilespmem:s25+$0x20] =	vst v0;
	v0 =	vld [tilespmem:s25+$0x30]  }
0x97: {  	v1 =	vld [tilespmem:s23+$0x30];
	_ =	sdelay $0x4  }
0x98: {  	v0 =	vadd.f32 v0, v1;
	_ =	sdelay $0x1  }
0x99: {  	v0 =	vmax.f32 v0, $0.0e+00  }
0x9a: {  	[tilespmem:s25+$0x30] =	vst v0;
	v0 =	vld [tilespmem:s25+$0x40]  }
0x9b: {  	v1 =	vld [tilespmem:s23+$0x40];
	_ =	sdelay $0x4  }
0x9c: {  	v0 =	vadd.f32 v0, v1;
	_ =	sdelay $0x1  }
0x9d: {  	v0 =	vmax.f32 v0, $0.0e+00  }
0x9e: {  	[tilespmem:s25+$0x40] =	vst v0;
	v0 =	vld [tilespmem:s25+$0x50]  }
0x9f: {  	v1 =	vld [tilespmem:s23+$0x50];
	_ =	sdelay $0x4  }
0xa0: {  	v0 =	vadd.f32 v0, v1;
	_ =	sdelay $0x1  }
0xa1: {  	v0 =	vmax.f32 v0, $0.0e+00  }
0xa2: {  	[tilespmem:s25+$0x50] =	vst v0;
	v0 =	vld [tilespmem:s25+$0x60]  }
0xa3: {  	v1 =	vld [tilespmem:s23+$0x60];
	_ =	sdelay $0x4  }
0xa4: {  	v0 =	vadd.f32 v0, v1;
	_ =	sdelay $0x1  }
0xa5: {  	v0 =	vmax.f32 v0, $0.0e+00  }
0xa6: {  	[tilespmem:s25+$0x60] =	vst v0;
	v0 =	vld [tilespmem:s25+$0x70]  }
0xa7: {  	v1 =	vld [tilespmem:s23+$0x70];
	_ =	sdelay $0x2  }
.Ltmp0:
0xa8: {  	(pc) =	sbr.rel @p0 .LBB2_3-.Ltmp0, $3  }
0xa9: {  	_ = 	snop  }
0xaa: {  	v0 =	vadd.f32 v0, v1;
	_ =	sdelay $0x1  }
0xab: {  	s25 =	sadd.s32 $0x100, s25;
	v0 =	vmax.f32 v0, $0.0e+00  }
0xac: {  	s21 =	sadd.s32 $0x1, s21  }
0xad: {  	p0 =	sne.s32 s21, $0x7D  }
.Ltmp1:
0xae: {  	[tilespmem:s22+$0x70] =	vst v0;
	(pc) =	sbr.rel @p0 .LBB2_2-.Ltmp1, $4  }
0xaf: {  	[spmem:s2] =	stream.indirect.scatter.add.f32 [tilespmem:s16], [sflag:$0x2], $0x80, s15, s17, $0xb8;
	[tilespmem:$0x19100] =	vst v63  }
0xb0: {  	_ =	swait.ge [sflag:s14], $0x2800  }
0xb1: {  	[sflag:s14] =	ssyncset.done $0x0  }
0xb2: {  	[sflag:s14] =	ssyncadd.s32 $0xFFFFD800  }
0xb3: {  	s20 =	sadd.s32 $0x1, s20  }
0xb4: {  	p0 =	sne.s32 s20, s12  }
.Ltmp2:
0xb5: {  	[bflag:$0x0] =	sbarrier.arrive $0xFFFF;
	(pc) =	sbr.rel @p0 .LBB2_1-.Ltmp2, $4  }
0xb6: {  	[hbm:s11], [sflag:s9] =	dma.local [spmem:s13], $0x2800  }
0xb7: {  	_ =	swait.ge [sflag:s14], $0x2800  }
0xb8: {  	[sflag:s14] =	ssyncset.done $0x0  }
0xb9: {  	[sflag:s14] =	ssyncadd.s32 $0xFFFFD800  }
0xba: {  	_ =	sfence.sel $0x180000  }
0xbb: {  	[bflag:$0x0] =	sbarrier.arrive $0xFFFF  }
0xbc: {  	p0 =	sne.s32 s3, $0x0;
	_ =	strace $0x90000047  }
0xbd: {  	s0 =	sadd.s32 @!p0 $0x100000, s0;
	[bflag:$0x2] =	sbarrier.arrive $0xFFFF  }
0xbe: {  	[sflag:s0] =	ssyncadd.tile.s32 @!p0 $0x1;
	_ =	shalt  }
.Lfunc_end2:
_tile_overlayer_lowered:
.L_overlay_start_2:
0xbf: {  	(tag) =	ssettag $0x2  }
0xc0: {  	s0 =	rddreg [dreg:$0x0];
	s2 =	stileid.u32  }
0xc1: {  	s1 =	rddreg [dreg:$0x1];
	p0 =	sne.s32 s2, $0x0  }
0xc2: {  	s3 =	rddreg [dreg:$0x2];
	[bflag:$0x3] =	sbarrier.arrive $0xFFFF;
	s2 =	simm.s32 @!p0 $0x1C02  }
0xc3: {  	[timem:s3], [sflag:s2] =	dma.local @!p0 [hbm:s0], s1  }
0xc4: {  	s0 =	simm.s32 @!p0 $0x2  }
0xc5: {  	_ =	swait.ge @!p0 [sflag:s0], s1  }
0xc6: {  	s1 =	ssub.s32 @!p0 $0x0, s1;
	[sflag:s0] =	ssyncset.done @!p0 $0x0  }
0xc7: {  	[sflag:s0] =	ssyncadd.s32 @!p0 s1  }
0xc8: {  	[bflag:$0x3] =	sbarrier.arrive $0xFFFF  }
0xc9: {  	_ =	shalt  }

// kernel: kernel.14.cloned.1.call-start
scs
__scs_entry_jumppad:
0x0: {  	(pc) =	sbr.rel $0x88, $3  }
0x1: {  	(tag) =	ssettag $0x0;
	lr =	simm.s32 $0x1  }
0x2: {  	[smem:$0x3F90] =	sst lr;
	_ =	strace $0xD0000000  }
0x3: {  	_ = 	snop  }
0x4: {  	_ = 	snop  }
0x5: {  	_ = 	snop  }
0x6: {  	_ = 	snop  }
0x7: {  	_ = 	snop  }
__scs_overlays_trampoline_lowered:
0x8: {  	[smem:$0x3F9F] =	sst s0  }
0x9: {  	[smem:$0x3FA0] =	sst s1  }
0xa: {  	[smem:$0x3FA1] =	sst s2  }
0xb: {  	[smem:$0x3FA2] =	sst s3  }
0xc: {  	[smem:$0x3FA3] =	sst s4  }
0xd: {  	[smem:$0x3FA4] =	sst s5  }
0xe: {  	[smem:$0x3FA5] =	sst s6  }
0xf: {  	[smem:$0x3FA6] =	sst s7  }
0x10: {  	[smem:$0x3FA7] =	sst s8  }
0x11: {  	[smem:$0x3FA8] =	sst s9;
	s0 =	simm.s32 @!p0 $0x0  }
0x12: {  	s1 =	sld [smem:$0x3F8E];
	s0 =	simm.s32 @p0 $0x1  }
0x13: {  	[smem:$0x3FA9] =	sst s0;
	s0 =	simm.s32 @!p1 $0x0  }
0x14: {  	s2 =	sld [smem:$0x3F8D];
	s0 =	simm.s32 @p1 $0x1  }
0x15: {  	[smem:$0x3FAA] =	sst s0;
	s0 =	simm.s32 @!p2 $0x0  }
0x16: {  	s3 =	sld [smem:$0x3FDB];
	s0 =	simm.s32 @p2 $0x1  }
0x17: {  	s4 =	simm.s32 $0x1BF5;
	[smem:$0x3FAC] =	sst s0  }
0x18: {  	s0 =	sld [smem:$0x3F8F];
	_ =	swait.ge [sflag:s4], $0x0  }
0x19: {  	s7 =	sld [smem:$0x3F90]  }
0x1a: {  	s8 =	sadd.s32 $0xFFFFE003, lr  }
0x1b: {  	s9 =	sadd.s32 $0xFFFFFEF7, lr;
	s5 =	simm.s32 $0xFFFFFFFF;
	p2 =	slt.u32 s8, $0xFFFFF086  }
0x1c: {  	p1 =	slt.u32 s9, $0xF7A;
	s5 =	simm.s32 @!p2 $0x0  }
0x1d: {  	s5 =	simm.s32 @p1 $0x1;
	p0 =	seq.s32 s7, s2  }
0x1e: {  	s7 =	smul.u32 @!p0 $0xF7A, s2;
	p2 =	seq.s32 @!p0 s5, $0x0  }
0x1f: {  	s9 =	smul.u32 $0xF7A, s1;
	s8 =	simm.s32 @!p0 $0x1BF5;
	p2 =	por !p2, p0  }
0x20: {  	[sflag:s8] =	ssyncset.s32 @!p0 $0xFFFFF086;
	s6 =	sadd.s32 @!p0 s3, s7;
	s7 =	simm.s32 @!p0 $0x108  }
0x21: {  	s3 =	sadd.s32 s3, s9;
	s6 =	sadd.s32 @!p0 $0x88, s6;
	s7 =	simm.s32 @p2 $0x1082  }
0x22: {  	[simem:s7], [sflag:s8] =	dma.local @!p0 [hbm:s6], $0xF7A  }
0x23: {  	s9 =	sor.u32 $0xD0000000, s2;
	s6 =	simm.s32 $0x108;
	_ =	swait.ge @!p0 [sflag:s8], $0x0  }
0x24: {  	s3 =	sadd.s32 $0x88, s3;
	s6 =	simm.s32 @!p1 $0x1082;
	[sflag:s4] =	ssyncset.s32 $0xFFFFF086  }
0x25: {  	[simem:s6], [sflag:s4] =	dma.local [hbm:s3], $0xF7A  }
0x26: {  	[smem:$0x3F90] =	sst s1;
	(tag) =	ssettag s2;
	_ =	strace s9  }
0x27: {  	s1 =	sld [smem:$0x3FA0]  }
0x28: {  	s2 =	sld [smem:$0x3FA1]  }
0x29: {  	s4 =	sld [smem:$0x3FA3]  }
0x2a: {  	p0 =	seq.s32 s5, $0x0;
	s5 =	sld [smem:$0x3FA4]  }
0x2b: {  	s6 =	sld [smem:$0x3FA5]  }
0x2c: {  	s7 =	sld [smem:$0x3FA6]  }
0x2d: {  	s3 =	simm.s32 $0x108;
	s8 =	sld [smem:$0x3FA7]  }
0x2e: {  	s3 =	simm.s32 @!p0 $0x1082;
	s9 =	sld [smem:$0x3FA8]  }
0x2f: {  	lr =	sadd.s32 s0, s3;
	s0 =	sld [smem:$0x3F9F]  }
0x30: {  	s3 =	sld [smem:$0x3FA2]  }
0x31: {  	[smem:$0x3FAB] =	sst s10  }
0x32: {  	s10 =	sld [smem:$0x3FA9];
	_ =	sdelay $0x3  }
0x33: {  	p0 =	seq.s32 s10, $0x1;
	s10 =	sld [smem:$0x3FAB];
	_ =	sdelay $0x3  }
0x34: {  	[smem:$0x3FAB] =	sst s10  }
0x35: {  	s10 =	sld [smem:$0x3FAA];
	_ =	sdelay $0x3  }
0x36: {  	p1 =	seq.s32 s10, $0x1;
	s10 =	sld [smem:$0x3FAB];
	_ =	sdelay $0x3  }
0x37: {  	[smem:$0x3FAB] =	sst s10  }
0x38: {  	s10 =	sld [smem:$0x3FAC]  }
0x39: {  	_ = 	snop;
	(pc) =	sbr.ind lr, $3  }
0x3a: {  	_ = 	snop  }
0x3b: {  	_ = 	snop  }
0x3c: {  	p2 =	seq.s32 s10, $0x1;
	s10 =	sld [smem:$0x3FAB]  }
0x3d: {  	_ =	shalt  }
0x3e: {  	_ =	shalt  }
0x3f: {  	_ =	shalt  }
0x40: {  	_ =	shalt  }
0x41: {  	_ =	shalt  }
0x42: {  	_ =	shalt  }
0x43: {  	_ =	shalt  }
0x44: {  	_ =	shalt  }
0x45: {  	_ =	shalt  }
0x46: {  	_ =	shalt  }
0x47: {  	_ =	shalt  }
0x48: {  	_ =	shalt  }
0x49: {  	_ =	shalt  }
0x4a: {  	_ =	shalt  }
0x4b: {  	_ =	shalt  }
0x4c: {  	_ =	shalt  }
0x4d: {  	_ =	shalt  }
0x4e: {  	_ =	shalt  }
0x4f: {  	_ =	shalt  }
0x50: {  	_ =	shalt  }
0x51: {  	_ =	shalt  }
0x52: {  	_ =	shalt  }
0x53: {  	_ =	shalt  }
0x54: {  	_ =	shalt  }
0x55: {  	_ =	shalt  }
0x56: {  	_ =	shalt  }
0x57: {  	_ =	shalt  }
0x58: {  	_ =	shalt  }
0x59: {  	_ =	shalt  }
0x5a: {  	_ =	shalt  }
0x5b: {  	_ =	shalt  }
0x5c: {  	_ =	shalt  }
0x5d: {  	_ =	shalt  }
0x5e: {  	_ =	shalt  }
0x5f: {  	_ =	shalt  }
0x60: {  	_ =	shalt  }
0x61: {  	_ =	shalt  }
0x62: {  	_ =	shalt  }
0x63: {  	_ =	shalt  }
0x64: {  	_ =	shalt  }
0x65: {  	_ =	shalt  }
0x66: {  	_ =	shalt  }
0x67: {  	_ =	shalt  }
0x68: {  	_ =	shalt  }
0x69: {  	_ =	shalt  }
0x6a: {  	_ =	shalt  }
0x6b: {  	_ =	shalt  }
0x6c: {  	_ =	shalt  }
0x6d: {  	_ =	shalt  }
0x6e: {  	_ =	shalt  }
0x6f: {  	_ =	shalt  }
0x70: {  	_ =	shalt  }
0x71: {  	_ =	shalt  }
0x72: {  	_ =	shalt  }
0x73: {  	_ =	shalt  }
0x74: {  	_ =	shalt  }
0x75: {  	_ =	shalt  }
0x76: {  	_ =	shalt  }
0x77: {  	_ =	shalt  }
0x78: {  	_ =	shalt  }
0x79: {  	_ =	shalt  }
0x7a: {  	_ =	shalt  }
0x7b: {  	_ =	shalt  }
0x7c: {  	_ =	shalt  }
0x7d: {  	_ =	shalt  }
0x7e: {  	_ =	shalt  }
0x7f: {  	_ =	shalt  }
0x80: {  	_ =	shalt  }
0x81: {  	_ =	shalt  }
0x82: {  	_ =	shalt  }
0x83: {  	_ =	shalt  }
0x84: {  	_ =	shalt  }
0x85: {  	_ =	shalt  }
0x86: {  	_ =	shalt  }
0x87: {  	_ =	shalt  }
.Lfunc_end0:
.L_simem_size_0:
called_computation.1_lowered:
.L_overlay_start_0:
0x88: {  	s2 =	sld [smem:$0x3FD9]  }
0x89: {  	s3 =	sld [smem:$0x3FFE];
	_ =	sdelay $0x1  }
0x8a: {  	s1 =	srdreg.scid  }
0x8b: {  	s0 =	sand.u32 $0x1, s1  }
0x8c: {  	s17 =	sshll.u32 s0, $0xA;
	s2 =	sadd.s32 s3, s2  }
0x8d: {  	s2 =	sadd.s32 s2, s17  }
0x8e: {  	[smem:$0x3FB7] =	sst s2  }
0x8f: {  	_ = 	snop  }
0x90: {  	s2 =	sld [smem:$0x3FD0];
	(tm) =	ssettm $0x1  }
0x91: {  	s18 =	sld [smem:$0x3FFB];
	_ =	sdelay $0x3  }
0x92: {  	_ =	strace s18  }
0x93: {  	s3 =	sld [smem:$0x3FFC];
	_ =	sdelay $0x3  }
0x94: {  	_ =	strace s3  }
0x95: {  	s3 =	sld [smem:$0x3FFD];
	_ =	sdelay $0x3  }
0x96: {  	_ =	strace s3  }
0x97: {  	_ =	strace $0x8FFFFFFF  }
0x98: {  	s19 =	sld [smem:$0x3FDB];
	_ =	sdelay $0x1  }
0x99: {  	s4 =	simm.s32 $_scs_section_size  }
0x9a: {  	s5 =	simm.s32 $_size__tile_overlayer_lowered;
	s6 =	simm.s32 $_tile_overlayer_lowered  }
0x9b: {  	s22 =	simm.s32 $0x1BFF;
	s21 =	sshll.u32 s6, $0x1;
	s3 =	sadd.s32 s4, s19  }
0x9c: {  	s7 =	simm.s32 $0x0;
	s20 =	sshll.u32 s5, $0x1;
	s5 =	sadd.s32 s21, s3  }
0x9d: {  	[timem:s7], [sflag:s22] =	dma.local [hbm:s5], s20  }
0x9e: {  	_ =	swait.ge [sflag:s22], s20  }
0x9f: {  	s4 =	ssub.s32 $0x0, s20;
	[sflag:s22] =	ssyncset.done $0x0  }
0xa0: {  	[sflag:s22] =	ssyncadd.s32 s4;
	_ =	sdelay $0x1  }
0xa1: {  	s23 =	simm.s32 $0x1B8B  }
0xa2: {  	_ =	swait.ge [sflag:s23], $0x1  }
0xa3: {  	[sflag:s23] =	ssyncset.done $0x0  }
0xa4: {  	s25 =	simm.s32 $0x1B8E;
	s24 =	sld [smem:$0x3FFE];
	[sflag:s23] =	ssyncadd.s32 $0xFFFFFFFF  }
0xa5: {  	s26 =	simm.s32 $execute0_lowered;
	[smem:$0x3FD2] =	sst s25  }
0xa6: {  	s5 =	sshll.u32 s26, $0x1;
	_ =	strace $0x80000049;
	[dreg:$0x1] =	wrdreg $0xFFFFFFFF  }
0xa7: {  	s28 =	simm.s32 $_size_execute0_lowered;
	s3 =	sadd.s32 s3, s5;
	[dreg:$0x0] =	wrdreg $0x0  }
0xa8: {  	s5 =	sshll.u32 s28, $0x1;
	[dreg:$0x2] =	wrdreg s3  }
0xa9: {  	[dreg:$0x3] =	wrdreg s5  }
0xaa: {  	[dreg:$0x4] =	wrdreg $0xC0  }
0xab: {  	_ =	task [dreg:s7], $0x5FFFF  }
0xac: {  	[dreg:$0x1] =	wrdreg $0xFFFFFFFF  }
0xad: {  	[dreg:$0x0] =	wrdreg $0x60  }
0xae: {  	[dreg:$0x2] =	wrdreg s2  }
0xaf: {  	[dreg:$0x3] =	wrdreg s24  }
0xb0: {  	[dreg:$0x4] =	wrdreg $0x51000  }
0xb1: {  	[dreg:$0x5] =	wrdreg $0x9  }
0xb2: {  	_ =	task.clear_ibuf [dreg:s7], $0x6FFFF;
	_ =	strace $0x90000049  }
0xb3: {  	s29 =	simm.s32 $0x9;
	_ =	strace $0x8000004B  }
0xb4: {  	_ =	swait.ge [sflag:s29], $0x1  }
0xb5: {  	[sflag:s29] =	ssyncadd.s32 $0xFFFFFFFF  }
0xb6: {  	_ =	strace $0x9000004B  }
0xb7: {  	_ =	sfence  }
0xb8: {  	s30 =	sld [smem:$0x0];
	_ =	sdelay $0x2  }
0xb9: {  	s31 =	sshll.u32 s1, $0xD;
	s1 =	sshrl.u32 s1, $0x2  }
0xba: {  	s3 =	sand.u32 $0x4000, s31;
	s1 =	sadd.s32 s1, s30  }
0xbb: {  	s0 =	sor.u32 s3, s0;
	s1 =	sshll.u32 s1, $0x11  }
0xbc: {  	s0 =	sor.u32 s1, s0  }
0xbd: {  	s0 =	sadd.s32 $0x8F2B, s0  }
0xbe: {  	[sflag:s0] =	ssyncadd.remote.s32 $0x1  }
0xbf: {  	_ =	sfence.sel $0xFFFF  }
0xc0: {  	[dreg:$0x0] =	wrdreg $0xFFFFFFFF;
	(pc) =	sbr.abs _section_cstart, $3  }
0xc1: {  	[dreg:$0x1] =	wrdreg $0xFFFFFFFF  }
0xc2: {  	_ =	task.clear_ibuf [dreg:s7], $0x2FFFF;
	_ =	strace $0x9FFFFFFF  }
0xc3: {  	(tm) =	ssettm $0x7FFFFFFF  }
tec
execute0_lowered:
.L_overlay_start_1:
0x0: {  	(tag) =	ssettag $0x1  }
0x1: {  	s1 =	rddreg [dreg:$0x0]  }
0x2: {  	s9 =	rddreg [dreg:$0x1]  }
0x3: {  	s2 =	rddreg [dreg:$0x2];
	s3 =	srdreg.scid  }
0x4: {  	s0 =	rddreg [dreg:$0x3];
	s4 =	simm.s32 $0x0;
	s15 =	simm.s32 $0x80  }
0x5: {  	s16 =	simm.s32 $0x100;
	s17 =	simm.s32 $0x50;
	s18 =	simm.s32 $0x2900  }
0x6: {  	s19 =	simm.s32 $0x1;
	s20 =	simm.s32 $0x0;
	s10 =	sand.u32 $0x1, s3  }
0x7: {  	s3 =	stileid.u32;
	[smem:$0x7FF] =	sst s4;
	s5 =	sadd.s32 $0xA2D400, s9  }
0x8: {  	s6 =	sadd.s32 $0xCE00, s9;
	s7 =	sadd.s32 $0x3000, s9;
	s8 =	smul.u32 $0x140000, s10  }
0x9: {  	s11 =	smul.u32 $0x14000, s3;
	_ =	strace $0x8000004A;
	s12 =	ssub.s32 $0x2, s10  }
0xa: {  	s13 =	smul.u32 $0x50000, s3;
	s28 =	sshll.u32 s10, $0x4;
	s31 =	sshll.u32 s3, $0x6  }
0xb: {  	s26 =	sshrl.u32 s12, $0x1;
	s30 =	sor.u32 s3, s28;
	s8 =	sadd.s32 s11, s8  }
0xc: {  	s12 =	ssub.s32 s12, s26;
	s29 =	sshrl.u32 s13, $0x2;
	s10 =	smul.u32 $0x2710, s30  }
0xd: {  	s11 =	sshrl.u32 s8, $0x3;
	s8 =	sadd.s32 $0x9DAC00, s9;
	s14 =	sadd.s32 s29, s2  }
0xe: {  	s12 =	smax.u32 s12, $0x1;
	s11 =	sadd.s32 s11, s9;
	s9 =	sor.u32 $0x1C02, s31  }
0xf: {  	s13 =	sshrl.u32 s14, $0x3;
	s14 =	simm.s32 $0x2;
	s11 =	sadd.s32 $0x9DD400, s11  }
.LBB2_1:
0x10: {  	[spmem:s13], [sflag:s9] =	dma.local [hbm:s8], $0x2800  }
0x11: {  	_ =	swait.ge [sflag:s14], $0x2800  }
0x12: {  	[sflag:s14] =	ssyncset.done $0x0  }
0x13: {  	[sflag:s14] =	ssyncadd.s32 $0xFFFFD800  }
0x14: {  	s21 =	simm.s32 $0x0;
	[bflag:$0x0] =	sbarrier.arrive $0xFFFF  }
.LBB2_2:
0x15: {  	s22 =	smul.u32 $0x50, s21;
	_ =	sdelay $0x1  }
0x16: {  	s22 =	sadd.s32 s10, s22  }
0x17: {  	s23 =	sshrl.u32 s22, $0x3  }
0x18: {  	s24 =	sadd.s32 s6, s23  }
0x19: {  	[tilespmem:s4], [sflag:$0x2] =	stream.linear.gather [hbm4b:s24+s4], $0x50, $0x38;
	[tilespmem:$0x19100] =	vst v63  }
0x1a: {  	_ =	swait.ge [sflag:s14], $0x50  }
0x1b: {  	[sflag:s14] =	ssyncset.done $0x0  }
0x1c: {  	s23 =	sadd.s32 s7, s23;
	[sflag:s14] =	ssyncadd.s32 $0xFFFFFFB0  }
0x1d: {  	[tilespmem:s15], [sflag:$0x2] =	stream.linear.gather [hbm4b:s23+s4], $0x50, $0x38;
	[tilespmem:$0x19100] =	vst v63  }
0x1e: {  	_ =	swait.ge [sflag:s14], $0x50  }
0x1f: {  	s22 =	sshll.u32 s22, $0x4;
	[sflag:s14] =	ssyncset.done $0x0  }
0x20: {  	s22 =	sadd.s32 s5, s22;
	[sflag:s14] =	ssyncadd.s32 $0xFFFFFFB0  }
0x21: {  	[tilespmem:s16], [sflag:$0x2] =	stream.linear.gather [hbm4b:s22+s4], $0x2800, $0x38;
	[tilespmem:$0x19100] =	vst v63  }
0x22: {  	_ =	swait.ge [sflag:s14], $0x2800  }
0x23: {  	[sflag:s14] =	ssyncset.done $0x0  }
0x24: {  	[sflag:s14] =	ssyncadd.s32 $0xFFFFD800  }
0x25: {  	[tilespmem:s18], [sflag:$0x1] =	stream.indirect.gather [hbm4b:s1+s17], $0x80, s4, s17, $0xb8;
	[tilespmem:$0x19100] =	vst v63  }
0x26: {  	_ =	swait.ge [sflag:s19], $0x2800  }
0x27: {  	[sflag:s19] =	ssyncset.done $0x0  }
0x28: {  	s22 =	simm.s32 $0x180;
	[sflag:s19] =	ssyncadd.s32 $0xFFFFD800  }
0x29: {  	s23 =	simm.s32 $0x2980;
	v0 =	vld [tilespmem:s22+$0xFFFFFF80]  }
0x2a: {  	v1 =	vld [tilespmem:s23+$0xFFFFFF80];
	_ =	sdelay $0x4  }
0x2b: {  	v0 =	vadd.f32 v0, v1;
	_ =	sdelay $0x1  }
0x2c: {  	v0 =	vmax.f32 v0, $0.0e+00  }
0x2d: {  	[tilespmem:s22+$0xFFFFFF80] =	vst v0;
	v0 =	vld [tilespmem:s22+$0xFFFFFF90]  }
0x2e: {  	v1 =	vld [tilespmem:s23+$0xFFFFFF90];
	_ =	sdelay $0x4  }
0x2f: {  	v0 =	vadd.f32 v0, v1;
	_ =	sdelay $0x1  }
0x30: {  	v0 =	vmax.f32 v0, $0.0e+00  }
0x31: {  	[tilespmem:s22+$0xFFFFFF90] =	vst v0;
	v0 =	vld [tilespmem:s22+$0xFFFFFFA0]  }
0x32: {  	v1 =	vld [tilespmem:s23+$0xFFFFFFA0];
	_ =	sdelay $0x4  }
0x33: {  	v0 =	vadd.f32 v0, v1;
	_ =	sdelay $0x1  }
0x34: {  	v0 =	vmax.f32 v0, $0.0e+00  }
0x35: {  	[tilespmem:s22+$0xFFFFFFA0] =	vst v0;
	v0 =	vld [tilespmem:s22+$0xFFFFFFB0]  }
0x36: {  	v1 =	vld [tilespmem:s23+$0xFFFFFFB0];
	_ =	sdelay $0x4  }
0x37: {  	v0 =	vadd.f32 v0, v1;
	_ =	sdelay $0x1  }
0x38: {  	v0 =	vmax.f32 v0, $0.0e+00  }
0x39: {  	[tilespmem:s22+$0xFFFFFFB0] =	vst v0;
	v0 =	vld [tilespmem:s22+$0xFFFFFFC0]  }
0x3a: {  	v1 =	vld [tilespmem:s23+$0xFFFFFFC0];
	_ =	sdelay $0x4  }
0x3b: {  	v0 =	vadd.f32 v0, v1;
	_ =	sdelay $0x1  }
0x3c: {  	v0 =	vmax.f32 v0, $0.0e+00  }
0x3d: {  	[tilespmem:s22+$0xFFFFFFC0] =	vst v0;
	v0 =	vld [tilespmem:s22+$0xFFFFFFD0]  }
0x3e: {  	v1 =	vld [tilespmem:s23+$0xFFFFFFD0];
	_ =	sdelay $0x4  }
0x3f: {  	v0 =	vadd.f32 v0, v1;
	_ =	sdelay $0x1  }
0x40: {  	v0 =	vmax.f32 v0, $0.0e+00  }
0x41: {  	[tilespmem:s22+$0xFFFFFFD0] =	vst v0;
	v0 =	vld [tilespmem:s22+$0xFFFFFFE0]  }
0x42: {  	v1 =	vld [tilespmem:s23+$0xFFFFFFE0];
	_ =	sdelay $0x4  }
0x43: {  	v0 =	vadd.f32 v0, v1;
	_ =	sdelay $0x1  }
0x44: {  	v0 =	vmax.f32 v0, $0.0e+00  }
0x45: {  	[tilespmem:s22+$0xFFFFFFE0] =	vst v0;
	v0 =	vld [tilespmem:s22+$0xFFFFFFF0]  }
0x46: {  	v1 =	vld [tilespmem:s23+$0xFFFFFFF0];
	_ =	sdelay $0x4  }
0x47: {  	v0 =	vadd.f32 v0, v1;
	_ =	sdelay $0x1  }
0x48: {  	v0 =	vmax.f32 v0, $0.0e+00  }
0x49: {  	[tilespmem:s22+$0xFFFFFFF0] =	vst v0;
	v0 =	vld [tilespmem:s22+$0x0]  }
0x4a: {  	v1 =	vld [tilespmem:s23+$0x0];
	_ =	sdelay $0x4  }
0x4b: {  	v0 =	vadd.f32 v0, v1;
	_ =	sdelay $0x1  }
0x4c: {  	v0 =	vmax.f32 v0, $0.0e+00  }
0x4d: {  	[tilespmem:s22+$0x0] =	vst v0;
	v0 =	vld [tilespmem:s22+$0x10]  }
0x4e: {  	v1 =	vld [tilespmem:s23+$0x10];
	_ =	sdelay $0x4  }
0x4f: {  	v0 =	vadd.f32 v0, v1;
	_ =	sdelay $0x1  }
0x50: {  	v0 =	vmax.f32 v0, $0.0e+00  }
0x51: {  	[tilespmem:s22+$0x10] =	vst v0;
	v0 =	vld [tilespmem:s22+$0x20]  }
0x52: {  	v1 =	vld [tilespmem:s23+$0x20];
	_ =	sdelay $0x4  }
0x53: {  	v0 =	vadd.f32 v0, v1;
	_ =	sdelay $0x1  }
0x54: {  	v0 =	vmax.f32 v0, $0.0e+00  }
0x55: {  	[tilespmem:s22+$0x20] =	vst v0;
	v0 =	vld [tilespmem:s22+$0x30]  }
0x56: {  	v1 =	vld [tilespmem:s23+$0x30];
	_ =	sdelay $0x4  }
0x57: {  	v0 =	vadd.f32 v0, v1;
	_ =	sdelay $0x1  }
0x58: {  	v0 =	vmax.f32 v0, $0.0e+00  }
0x59: {  	[tilespmem:s22+$0x30] =	vst v0;
	v0 =	vld [tilespmem:s22+$0x40]  }
0x5a: {  	v1 =	vld [tilespmem:s23+$0x40];
	_ =	sdelay $0x4  }
0x5b: {  	v0 =	vadd.f32 v0, v1;
	_ =	sdelay $0x1  }
0x5c: {  	v0 =	vmax.f32 v0, $0.0e+00  }
0x5d: {  	[tilespmem:s22+$0x40] =	vst v0;
	v0 =	vld [tilespmem:s22+$0x50]  }
0x5e: {  	v1 =	vld [tilespmem:s23+$0x50];
	_ =	sdelay $0x4  }
0x5f: {  	v0 =	vadd.f32 v0, v1;
	_ =	sdelay $0x1  }
0x60: {  	v0 =	vmax.f32 v0, $0.0e+00  }
0x61: {  	[tilespmem:s22+$0x50] =	vst v0;
	v0 =	vld [tilespmem:s22+$0x60]  }
0x62: {  	v1 =	vld [tilespmem:s23+$0x60];
	_ =	sdelay $0x4  }
0x63: {  	v0 =	vadd.f32 v0, v1;
	_ =	sdelay $0x1  }
0x64: {  	v0 =	vmax.f32 v0, $0.0e+00  }
0x65: {  	[tilespmem:s22+$0x60] =	vst v0;
	v0 =	vld [tilespmem:s22+$0x70]  }
0x66: {  	v1 =	vld [tilespmem:s23+$0x70];
	_ =	sdelay $0x4  }
0x67: {  	v0 =	vadd.f32 v0, v1;
	_ =	sdelay $0x1  }
0x68: {  	s25 =	simm.s32 $0x280;
	s24 =	simm.s32 $0x0;
	v0 =	vmax.f32 v0, $0.0e+00  }
.LBB2_3:
0x69: {  	v1 =	vld [tilespmem:s25+$0xFFFFFF80];
	[tilespmem:s22+$0x70] =	vst v0;
	s23 =	sadd.s32 $0x100, s23;
	s22 =	smov.u32 s25  }
0x6a: {  	s24 =	sadd.s32 $0x2, s24;
	v0 =	vld [tilespmem:s23+$0xFFFFFF80]  }
0x6b: {  	p0 =	slt.u32 s24, $0x4E;
	_ =	sdelay $0x3  }
0x6c: {  	v0 =	vadd.f32 v1, v0;
	_ =	sdelay $0x1  }
0x6d: {  	v0 =	vmax.f32 v0, $0.0e+00  }
0x6e: {  	[tilespmem:s25+$0xFFFFFF80] =	vst v0;
	v0 =	vld [tilespmem:s25+$0xFFFFFF90]  }
0x6f: {  	v1 =	vld [tilespmem:s23+$0xFFFFFF90];
	_ =	sdelay $0x4  }
0x70: {  	v0 =	vadd.f32 v0, v1;
	_ =	sdelay $0x1  }
0x71: {  	v0 =	vmax.f32 v0, $0.0e+00  }
0x72: {  	[tilespmem:s25+$0xFFFFFF90] =	vst v0;
	v0 =	vld [tilespmem:s25+$0xFFFFFFA0]  }
0x73: {  	v1 =	vld [tilespmem:s23+$0xFFFFFFA0];
	_ =	sdelay $0x4  }
0x74: {  	v0 =	vadd.f32 v0, v1;
	_ =	sdelay $0x1  }
0x75: {  	v0 =	vmax.f32 v0, $0.0e+00  }
0x76: {  	[tilespmem:s25+$0xFFFFFFA0] =	vst v0;
	v0 =	vld [tilespmem:s25+$0xFFFFFFB0]  }
0x77: {  	v1 =	vld [tilespmem:s23+$0xFFFFFFB0];
	_ =	sdelay $0x4  }
0x78: {  	v0 =	vadd.f32 v0, v1;
	_ =	sdelay $0x1  }
0x79: {  	v0 =	vmax.f32 v0, $0.0e+00  }
0x7a: {  	[tilespmem:s25+$0xFFFFFFB0] =	vst v0;
	v0 =	vld [tilespmem:s25+$0xFFFFFFC0]  }
0x7b: {  	v1 =	vld [tilespmem:s23+$0xFFFFFFC0];
	_ =	sdelay $0x4  }
0x7c: {  	v0 =	vadd.f32 v0, v1;
	_ =	sdelay $0x1  }
0x7d: {  	v0 =	vmax.f32 v0, $0.0e+00  }
0x7e: {  	[tilespmem:s25+$0xFFFFFFC0] =	vst v0;
	v0 =	vld [tilespmem:s25+$0xFFFFFFD0]  }
0x7f: {  	v1 =	vld [tilespmem:s23+$0xFFFFFFD0];
	_ =	sdelay $0x4  }
0x80: {  	v0 =	vadd.f32 v0, v1;
	_ =	sdelay $0x1  }
0x81: {  	v0 =	vmax.f32 v0, $0.0e+00  }
0x82: {  	[tilespmem:s25+$0xFFFFFFD0] =	vst v0;
	v0 =	vld [tilespmem:s25+$0xFFFFFFE0]  }
0x83: {  	v1 =	vld [tilespmem:s23+$0xFFFFFFE0];
	_ =	sdelay $0x4  }
0x84: {  	v0 =	vadd.f32 v0, v1;
	_ =	sdelay $0x1  }
0x85: {  	v0 =	vmax.f32 v0, $0.0e+00  }
0x86: {  	[tilespmem:s25+$0xFFFFFFE0] =	vst v0;
	v0 =	vld [tilespmem:s25+$0xFFFFFFF0]  }
0x87: {  	v1 =	vld [tilespmem:s23+$0xFFFFFFF0];
	_ =	sdelay $0x4  }
0x88: {  	v0 =	vadd.f32 v0, v1;
	_ =	sdelay $0x1  }
0x89: {  	v0 =	vmax.f32 v0, $0.0e+00  }
0x8a: {  	[tilespmem:s25+$0xFFFFFFF0] =	vst v0;
	v0 =	vld [tilespmem:s25+$0x0]  }
0x8b: {  	v1 =	vld [tilespmem:s23+$0x0];
	_ =	sdelay $0x4  }
0x8c: {  	v0 =	vadd.f32 v0, v1;
	_ =	sdelay $0x1  }
0x8d: {  	v0 =	vmax.f32 v0, $0.0e+00  }
0x8e: {  	[tilespmem:s25+$0x0] =	vst v0;
	v0 =	vld [tilespmem:s25+$0x10]  }
0x8f: {  	v1 =	vld [tilespmem:s23+$0x10];
	_ =	sdelay $0x4  }
0x90: {  	v0 =	vadd.f32 v0, v1;
	_ =	sdelay $0x1  }
0x91: {  	v0 =	vmax.f32 v0, $0.0e+00  }
0x92: {  	[tilespmem:s25+$0x10] =	vst v0;
	v0 =	vld [tilespmem:s25+$0x20]  }
0x93: {  	v1 =	vld [tilespmem:s23+$0x20];
	_ =	sdelay $0x4  }
0x94: {  	v0 =	vadd.f32 v0, v1;
	_ =	sdelay $0x1  }
0x95: {  	v0 =	vmax.f32 v0, $0.0e+00  }
0x96: {  	[tilespmem:s25+$0x20] =	vst v0;
	v0 =	vld [tilespmem:s25+$0x30]  }
0x97: {  	v1 =	vld [tilespmem:s23+$0x30];
	_ =	sdelay $0x4  }
0x98: {  	v0 =	vadd.f32 v0, v1;
	_ =	sdelay $0x1  }
0x99: {  	v0 =	vmax.f32 v0, $0.0e+00  }
0x9a: {  	[tilespmem:s25+$0x30] =	vst v0;
	v0 =	vld [tilespmem:s25+$0x40]  }
0x9b: {  	v1 =	vld [tilespmem:s23+$0x40];
	_ =	sdelay $0x4  }
0x9c: {  	v0 =	vadd.f32 v0, v1;
	_ =	sdelay $0x1  }
0x9d: {  	v0 =	vmax.f32 v0, $0.0e+00  }
0x9e: {  	[tilespmem:s25+$0x40] =	vst v0;
	v0 =	vld [tilespmem:s25+$0x50]  }
0x9f: {  	v1 =	vld [tilespmem:s23+$0x50];
	_ =	sdelay $0x4  }
0xa0: {  	v0 =	vadd.f32 v0, v1;
	_ =	sdelay $0x1  }
0xa1: {  	v0 =	vmax.f32 v0, $0.0e+00  }
0xa2: {  	[tilespmem:s25+$0x50] =	vst v0;
	v0 =	vld [tilespmem:s25+$0x60]  }
0xa3: {  	v1 =	vld [tilespmem:s23+$0x60];
	_ =	sdelay $0x4  }
0xa4: {  	v0 =	vadd.f32 v0, v1;
	_ =	sdelay $0x1  }
0xa5: {  	v0 =	vmax.f32 v0, $0.0e+00  }
0xa6: {  	[tilespmem:s25+$0x60] =	vst v0;
	v0 =	vld [tilespmem:s25+$0x70]  }
0xa7: {  	v1 =	vld [tilespmem:s23+$0x70];
	_ =	sdelay $0x2  }
.Ltmp0:
0xa8: {  	(pc) =	sbr.rel @p0 .LBB2_3-.Ltmp0, $3  }
0xa9: {  	_ = 	snop  }
0xaa: {  	v0 =	vadd.f32 v0, v1;
	_ =	sdelay $0x1  }
0xab: {  	s25 =	sadd.s32 $0x100, s25;
	v0 =	vmax.f32 v0, $0.0e+00  }
0xac: {  	s21 =	sadd.s32 $0x1, s21  }
0xad: {  	p0 =	sne.s32 s21, $0x7D  }
.Ltmp1:
0xae: {  	[tilespmem:s22+$0x70] =	vst v0;
	(pc) =	sbr.rel @p0 .LBB2_2-.Ltmp1, $4  }
0xaf: {  	[spmem:s2] =	stream.indirect.scatter.add.f32 [tilespmem:s16], [sflag:$0x2], $0x80, s15, s17, $0xb8;
	[tilespmem:$0x19100] =	vst v63  }
0xb0: {  	_ =	swait.ge [sflag:s14], $0x2800  }
0xb1: {  	[sflag:s14] =	ssyncset.done $0x0  }
0xb2: {  	[sflag:s14] =	ssyncadd.s32 $0xFFFFD800  }
0xb3: {  	s20 =	sadd.s32 $0x1, s20  }
0xb4: {  	p0 =	sne.s32 s20, s12  }
.Ltmp2:
0xb5: {  	[bflag:$0x0] =	sbarrier.arrive $0xFFFF;
	(pc) =	sbr.rel @p0 .LBB2_1-.Ltmp2, $4  }
0xb6: {  	[hbm:s11], [sflag:s9] =	dma.local [spmem:s13], $0x2800  }
0xb7: {  	_ =	swait.ge [sflag:s14], $0x2800  }
0xb8: {  	[sflag:s14] =	ssyncset.done $0x0  }
0xb9: {  	[sflag:s14] =	ssyncadd.s32 $0xFFFFD800  }
0xba: {  	_ =	sfence.sel $0x180000  }
0xbb: {  	[bflag:$0x0] =	sbarrier.arrive $0xFFFF  }
0xbc: {  	p0 =	sne.s32 s3, $0x0;
	_ =	strace $0x9000004A  }
0xbd: {  	s0 =	sadd.s32 @!p0 $0x100000, s0;
	[bflag:$0x2] =	sbarrier.arrive $0xFFFF  }
0xbe: {  	[sflag:s0] =	ssyncadd.tile.s32 @!p0 $0x1;
	_ =	shalt  }
.Lfunc_end2:
_tile_overlayer_lowered:
.L_overlay_start_2:
0xbf: {  	(tag) =	ssettag $0x2  }
0xc0: {  	s0 =	rddreg [dreg:$0x0];
	s2 =	stileid.u32  }
0xc1: {  	s1 =	rddreg [dreg:$0x1];
	p0 =	sne.s32 s2, $0x0  }
0xc2: {  	s3 =	rddreg [dreg:$0x2];
	[bflag:$0x3] =	sbarrier.arrive $0xFFFF;
	s2 =	simm.s32 @!p0 $0x1C02  }
0xc3: {  	[timem:s3], [sflag:s2] =	dma.local @!p0 [hbm:s0], s1  }
0xc4: {  	s0 =	simm.s32 @!p0 $0x2  }
0xc5: {  	_ =	swait.ge @!p0 [sflag:s0], s1  }
0xc6: {  	s1 =	ssub.s32 @!p0 $0x0, s1;
	[sflag:s0] =	ssyncset.done @!p0 $0x0  }
0xc7: {  	[sflag:s0] =	ssyncadd.s32 @!p0 s1  }
0xc8: {  	[bflag:$0x3] =	sbarrier.arrive $0xFFFF  }
0xc9: {  	_ =	shalt  }

// kernel: kernel.17.cloned.1.call-start
scs
__scs_entry_jumppad:
0x0: {  	(pc) =	sbr.rel $0x88, $3  }
0x1: {  	(tag) =	ssettag $0x0;
	lr =	simm.s32 $0x1  }
0x2: {  	[smem:$0x3F90] =	sst lr;
	_ =	strace $0xD0000000  }
0x3: {  	_ = 	snop  }
0x4: {  	_ = 	snop  }
0x5: {  	_ = 	snop  }
0x6: {  	_ = 	snop  }
0x7: {  	_ = 	snop  }
__scs_overlays_trampoline_lowered:
0x8: {  	[smem:$0x3F9F] =	sst s0  }
0x9: {  	[smem:$0x3FA0] =	sst s1  }
0xa: {  	[smem:$0x3FA1] =	sst s2  }
0xb: {  	[smem:$0x3FA2] =	sst s3  }
0xc: {  	[smem:$0x3FA3] =	sst s4  }
0xd: {  	[smem:$0x3FA4] =	sst s5  }
0xe: {  	[smem:$0x3FA5] =	sst s6  }
0xf: {  	[smem:$0x3FA6] =	sst s7  }
0x10: {  	[smem:$0x3FA7] =	sst s8  }
0x11: {  	[smem:$0x3FA8] =	sst s9;
	s0 =	simm.s32 @!p0 $0x0  }
0x12: {  	s1 =	sld [smem:$0x3F8E];
	s0 =	simm.s32 @p0 $0x1  }
0x13: {  	[smem:$0x3FA9] =	sst s0;
	s0 =	simm.s32 @!p1 $0x0  }
0x14: {  	s2 =	sld [smem:$0x3F8D];
	s0 =	simm.s32 @p1 $0x1  }
0x15: {  	[smem:$0x3FAA] =	sst s0;
	s0 =	simm.s32 @!p2 $0x0  }
0x16: {  	s3 =	sld [smem:$0x3FDB];
	s0 =	simm.s32 @p2 $0x1  }
0x17: {  	s4 =	simm.s32 $0x1BF5;
	[smem:$0x3FAC] =	sst s0  }
0x18: {  	s0 =	sld [smem:$0x3F8F];
	_ =	swait.ge [sflag:s4], $0x0  }
0x19: {  	s7 =	sld [smem:$0x3F90]  }
0x1a: {  	s8 =	sadd.s32 $0xFFFFE003, lr  }
0x1b: {  	s9 =	sadd.s32 $0xFFFFFEF7, lr;
	s5 =	simm.s32 $0xFFFFFFFF;
	p2 =	slt.u32 s8, $0xFFFFF086  }
0x1c: {  	p1 =	slt.u32 s9, $0xF7A;
	s5 =	simm.s32 @!p2 $0x0  }
0x1d: {  	s5 =	simm.s32 @p1 $0x1;
	p0 =	seq.s32 s7, s2  }
0x1e: {  	s7 =	smul.u32 @!p0 $0xF7A, s2;
	p2 =	seq.s32 @!p0 s5, $0x0  }
0x1f: {  	s9 =	smul.u32 $0xF7A, s1;
	s8 =	simm.s32 @!p0 $0x1BF5;
	p2 =	por !p2, p0  }
0x20: {  	[sflag:s8] =	ssyncset.s32 @!p0 $0xFFFFF086;
	s6 =	sadd.s32 @!p0 s3, s7;
	s7 =	simm.s32 @!p0 $0x108  }
0x21: {  	s3 =	sadd.s32 s3, s9;
	s6 =	sadd.s32 @!p0 $0x88, s6;
	s7 =	simm.s32 @p2 $0x1082  }
0x22: {  	[simem:s7], [sflag:s8] =	dma.local @!p0 [hbm:s6], $0xF7A  }
0x23: {  	s9 =	sor.u32 $0xD0000000, s2;
	s6 =	simm.s32 $0x108;
	_ =	swait.ge @!p0 [sflag:s8], $0x0  }
0x24: {  	s3 =	sadd.s32 $0x88, s3;
	s6 =	simm.s32 @!p1 $0x1082;
	[sflag:s4] =	ssyncset.s32 $0xFFFFF086  }
0x25: {  	[simem:s6], [sflag:s4] =	dma.local [hbm:s3], $0xF7A  }
0x26: {  	[smem:$0x3F90] =	sst s1;
	(tag) =	ssettag s2;
	_ =	strace s9  }
0x27: {  	s1 =	sld [smem:$0x3FA0]  }
0x28: {  	s2 =	sld [smem:$0x3FA1]  }
0x29: {  	s4 =	sld [smem:$0x3FA3]  }
0x2a: {  	p0 =	seq.s32 s5, $0x0;
	s5 =	sld [smem:$0x3FA4]  }
0x2b: {  	s6 =	sld [smem:$0x3FA5]  }
0x2c: {  	s7 =	sld [smem:$0x3FA6]  }
0x2d: {  	s3 =	simm.s32 $0x108;
	s8 =	sld [smem:$0x3FA7]  }
0x2e: {  	s3 =	simm.s32 @!p0 $0x1082;
	s9 =	sld [smem:$0x3FA8]  }
0x2f: {  	lr =	sadd.s32 s0, s3;
	s0 =	sld [smem:$0x3F9F]  }
0x30: {  	s3 =	sld [smem:$0x3FA2]  }
0x31: {  	[smem:$0x3FAB] =	sst s10  }
0x32: {  	s10 =	sld [smem:$0x3FA9];
	_ =	sdelay $0x3  }
0x33: {  	p0 =	seq.s32 s10, $0x1;
	s10 =	sld [smem:$0x3FAB];
	_ =	sdelay $0x3  }
0x34: {  	[smem:$0x3FAB] =	sst s10  }
0x35: {  	s10 =	sld [smem:$0x3FAA];
	_ =	sdelay $0x3  }
0x36: {  	p1 =	seq.s32 s10, $0x1;
	s10 =	sld [smem:$0x3FAB];
	_ =	sdelay $0x3  }
0x37: {  	[smem:$0x3FAB] =	sst s10  }
0x38: {  	s10 =	sld [smem:$0x3FAC]  }
0x39: {  	_ = 	snop;
	(pc) =	sbr.ind lr, $3  }
0x3a: {  	_ = 	snop  }
0x3b: {  	_ = 	snop  }
0x3c: {  	p2 =	seq.s32 s10, $0x1;
	s10 =	sld [smem:$0x3FAB]  }
0x3d: {  	_ =	shalt  }
0x3e: {  	_ =	shalt  }
0x3f: {  	_ =	shalt  }
0x40: {  	_ =	shalt  }
0x41: {  	_ =	shalt  }
0x42: {  	_ =	shalt  }
0x43: {  	_ =	shalt  }
0x44: {  	_ =	shalt  }
0x45: {  	_ =	shalt  }
0x46: {  	_ =	shalt  }
0x47: {  	_ =	shalt  }
0x48: {  	_ =	shalt  }
0x49: {  	_ =	shalt  }
0x4a: {  	_ =	shalt  }
0x4b: {  	_ =	shalt  }
0x4c: {  	_ =	shalt  }
0x4d: {  	_ =	shalt  }
0x4e: {  	_ =	shalt  }
0x4f: {  	_ =	shalt  }
0x50: {  	_ =	shalt  }
0x51: {  	_ =	shalt  }
0x52: {  	_ =	shalt  }
0x53: {  	_ =	shalt  }
0x54: {  	_ =	shalt  }
0x55: {  	_ =	shalt  }
0x56: {  	_ =	shalt  }
0x57: {  	_ =	shalt  }
0x58: {  	_ =	shalt  }
0x59: {  	_ =	shalt  }
0x5a: {  	_ =	shalt  }
0x5b: {  	_ =	shalt  }
0x5c: {  	_ =	shalt  }
0x5d: {  	_ =	shalt  }
0x5e: {  	_ =	shalt  }
0x5f: {  	_ =	shalt  }
0x60: {  	_ =	shalt  }
0x61: {  	_ =	shalt  }
0x62: {  	_ =	shalt  }
0x63: {  	_ =	shalt  }
0x64: {  	_ =	shalt  }
0x65: {  	_ =	shalt  }
0x66: {  	_ =	shalt  }
0x67: {  	_ =	shalt  }
0x68: {  	_ =	shalt  }
0x69: {  	_ =	shalt  }
0x6a: {  	_ =	shalt  }
0x6b: {  	_ =	shalt  }
0x6c: {  	_ =	shalt  }
0x6d: {  	_ =	shalt  }
0x6e: {  	_ =	shalt  }
0x6f: {  	_ =	shalt  }
0x70: {  	_ =	shalt  }
0x71: {  	_ =	shalt  }
0x72: {  	_ =	shalt  }
0x73: {  	_ =	shalt  }
0x74: {  	_ =	shalt  }
0x75: {  	_ =	shalt  }
0x76: {  	_ =	shalt  }
0x77: {  	_ =	shalt  }
0x78: {  	_ =	shalt  }
0x79: {  	_ =	shalt  }
0x7a: {  	_ =	shalt  }
0x7b: {  	_ =	shalt  }
0x7c: {  	_ =	shalt  }
0x7d: {  	_ =	shalt  }
0x7e: {  	_ =	shalt  }
0x7f: {  	_ =	shalt  }
0x80: {  	_ =	shalt  }
0x81: {  	_ =	shalt  }
0x82: {  	_ =	shalt  }
0x83: {  	_ =	shalt  }
0x84: {  	_ =	shalt  }
0x85: {  	_ =	shalt  }
0x86: {  	_ =	shalt  }
0x87: {  	_ =	shalt  }
.Lfunc_end0:
.L_simem_size_0:
called_computation.2_lowered:
.L_overlay_start_0:
0x88: {  	s2 =	sld [smem:$0x3FD9]  }
0x89: {  	s3 =	sld [smem:$0x3FFE];
	_ =	sdelay $0x1  }
0x8a: {  	s1 =	srdreg.scid  }
0x8b: {  	s0 =	sand.u32 $0x1, s1  }
0x8c: {  	s17 =	sshll.u32 s0, $0xA;
	s2 =	sadd.s32 s3, s2  }
0x8d: {  	s2 =	sadd.s32 s2, s17  }
0x8e: {  	[smem:$0x3FB7] =	sst s2  }
0x8f: {  	_ = 	snop  }
0x90: {  	s2 =	sld [smem:$0x3FD0];
	(tm) =	ssettm $0x1  }
0x91: {  	s18 =	sld [smem:$0x3FFB];
	_ =	sdelay $0x3  }
0x92: {  	_ =	strace s18  }
0x93: {  	s3 =	sld [smem:$0x3FFC];
	_ =	sdelay $0x3  }
0x94: {  	_ =	strace s3  }
0x95: {  	s3 =	sld [smem:$0x3FFD];
	_ =	sdelay $0x3  }
0x96: {  	_ =	strace s3  }
0x97: {  	_ =	strace $0x8FFFFFFF  }
0x98: {  	s19 =	sld [smem:$0x3FDB];
	_ =	sdelay $0x1  }
0x99: {  	s4 =	simm.s32 $_scs_section_size  }
0x9a: {  	s5 =	simm.s32 $_size__tile_overlayer_lowered;
	s6 =	simm.s32 $_tile_overlayer_lowered  }
0x9b: {  	s22 =	simm.s32 $0x1BFF;
	s21 =	sshll.u32 s6, $0x1;
	s3 =	sadd.s32 s4, s19  }
0x9c: {  	s7 =	simm.s32 $0x0;
	s20 =	sshll.u32 s5, $0x1;
	s5 =	sadd.s32 s21, s3  }
0x9d: {  	[timem:s7], [sflag:s22] =	dma.local [hbm:s5], s20  }
0x9e: {  	_ =	swait.ge [sflag:s22], s20  }
0x9f: {  	s4 =	ssub.s32 $0x0, s20;
	[sflag:s22] =	ssyncset.done $0x0  }
0xa0: {  	[sflag:s22] =	ssyncadd.s32 s4;
	_ =	sdelay $0x1  }
0xa1: {  	s23 =	simm.s32 $0x1B8B  }
0xa2: {  	_ =	swait.ge [sflag:s23], $0x1  }
0xa3: {  	[sflag:s23] =	ssyncset.done $0x0  }
0xa4: {  	s25 =	simm.s32 $0x1B8E;
	s24 =	sld [smem:$0x3FFE];
	[sflag:s23] =	ssyncadd.s32 $0xFFFFFFFF  }
0xa5: {  	s26 =	simm.s32 $execute0_lowered;
	[smem:$0x3FD2] =	sst s25  }
0xa6: {  	s5 =	sshll.u32 s26, $0x1;
	_ =	strace $0x8000004C;
	[dreg:$0x1] =	wrdreg $0xFFFFFFFF  }
0xa7: {  	s28 =	simm.s32 $_size_execute0_lowered;
	s3 =	sadd.s32 s3, s5;
	[dreg:$0x0] =	wrdreg $0x0  }
0xa8: {  	s5 =	sshll.u32 s28, $0x1;
	[dreg:$0x2] =	wrdreg s3  }
0xa9: {  	[dreg:$0x3] =	wrdreg s5  }
0xaa: {  	[dreg:$0x4] =	wrdreg $0xC0  }
0xab: {  	_ =	task [dreg:s7], $0x5FFFF  }
0xac: {  	[dreg:$0x1] =	wrdreg $0xFFFFFFFF  }
0xad: {  	[dreg:$0x0] =	wrdreg $0x60  }
0xae: {  	[dreg:$0x2] =	wrdreg s2  }
0xaf: {  	[dreg:$0x3] =	wrdreg s24  }
0xb0: {  	[dreg:$0x4] =	wrdreg $0x51000  }
0xb1: {  	[dreg:$0x5] =	wrdreg $0x9  }
0xb2: {  	_ =	task.clear_ibuf [dreg:s7], $0x6FFFF;
	_ =	strace $0x9000004C  }
0xb3: {  	s29 =	simm.s32 $0x9;
	_ =	strace $0x8000004E  }
0xb4: {  	_ =	swait.ge [sflag:s29], $0x1  }
0xb5: {  	[sflag:s29] =	ssyncadd.s32 $0xFFFFFFFF  }
0xb6: {  	_ =	strace $0x9000004E  }
0xb7: {  	_ =	sfence  }
0xb8: {  	s30 =	sld [smem:$0x0];
	_ =	sdelay $0x2  }
0xb9: {  	s31 =	sshll.u32 s1, $0xD;
	s1 =	sshrl.u32 s1, $0x2  }
0xba: {  	s3 =	sand.u32 $0x4000, s31;
	s1 =	sadd.s32 s1, s30  }
0xbb: {  	s0 =	sor.u32 s3, s0;
	s1 =	sshll.u32 s1, $0x11  }
0xbc: {  	s0 =	sor.u32 s1, s0  }
0xbd: {  	s0 =	sadd.s32 $0x8F2B, s0  }
0xbe: {  	[sflag:s0] =	ssyncadd.remote.s32 $0x1  }
0xbf: {  	_ =	sfence.sel $0xFFFF  }
0xc0: {  	[dreg:$0x0] =	wrdreg $0xFFFFFFFF;
	(pc) =	sbr.abs _section_cstart, $3  }
0xc1: {  	[dreg:$0x1] =	wrdreg $0xFFFFFFFF  }
0xc2: {  	_ =	task.clear_ibuf [dreg:s7], $0x2FFFF;
	_ =	strace $0x9FFFFFFF  }
0xc3: {  	(tm) =	ssettm $0x7FFFFFFF  }
tec
execute0_lowered:
.L_overlay_start_1:
0x0: {  	(tag) =	ssettag $0x1  }
0x1: {  	s1 =	rddreg [dreg:$0x0]  }
0x2: {  	s9 =	rddreg [dreg:$0x1]  }
0x3: {  	s2 =	rddreg [dreg:$0x2];
	s3 =	srdreg.scid  }
0x4: {  	s0 =	rddreg [dreg:$0x3];
	s4 =	simm.s32 $0x0;
	s15 =	simm.s32 $0x80  }
0x5: {  	s16 =	simm.s32 $0x100;
	s17 =	simm.s32 $0x50;
	s18 =	simm.s32 $0x2900  }
0x6: {  	s19 =	simm.s32 $0x1;
	s20 =	simm.s32 $0x0;
	s10 =	sand.u32 $0x1, s3  }
0x7: {  	s3 =	stileid.u32;
	[smem:$0x7FF] =	sst s4;
	s5 =	sadd.s32 $0x4F8C00, s9  }
0x8: {  	s6 =	sadd.s32 $0xCE00, s9;
	s7 =	sadd.s32 $0x3000, s9;
	s8 =	smul.u32 $0x140000, s10  }
0x9: {  	s11 =	smul.u32 $0x14000, s3;
	_ =	strace $0x8000004D;
	s12 =	ssub.s32 $0x2, s10  }
0xa: {  	s13 =	smul.u32 $0x50000, s3;
	s28 =	sshll.u32 s10, $0x4;
	s31 =	sshll.u32 s3, $0x6  }
0xb: {  	s26 =	sshrl.u32 s12, $0x1;
	s30 =	sor.u32 s3, s28;
	s8 =	sadd.s32 s11, s8  }
0xc: {  	s12 =	ssub.s32 s12, s26;
	s29 =	sshrl.u32 s13, $0x2;
	s10 =	smul.u32 $0x2710, s30  }
0xd: {  	s11 =	sshrl.u32 s8, $0x3;
	s8 =	sadd.s32 $0x9DAC00, s9;
	s14 =	sadd.s32 s29, s2  }
0xe: {  	s12 =	smax.u32 s12, $0x1;
	s11 =	sadd.s32 s11, s9;
	s9 =	sor.u32 $0x1C02, s31  }
0xf: {  	s13 =	sshrl.u32 s14, $0x3;
	s14 =	simm.s32 $0x2;
	s11 =	sadd.s32 $0x16C00, s11  }
.LBB2_1:
0x10: {  	[spmem:s13], [sflag:s9] =	dma.local [hbm:s8], $0x2800  }
0x11: {  	_ =	swait.ge [sflag:s14], $0x2800  }
0x12: {  	[sflag:s14] =	ssyncset.done $0x0  }
0x13: {  	[sflag:s14] =	ssyncadd.s32 $0xFFFFD800  }
0x14: {  	s21 =	simm.s32 $0x0;
	[bflag:$0x0] =	sbarrier.arrive $0xFFFF  }
.LBB2_2:
0x15: {  	s22 =	smul.u32 $0x50, s21;
	_ =	sdelay $0x1  }
0x16: {  	s22 =	sadd.s32 s10, s22  }
0x17: {  	s23 =	sshrl.u32 s22, $0x3  }
0x18: {  	s24 =	sadd.s32 s6, s23  }
0x19: {  	[tilespmem:s4], [sflag:$0x2] =	stream.linear.gather [hbm4b:s24+s4], $0x50, $0x38;
	[tilespmem:$0x19100] =	vst v63  }
0x1a: {  	_ =	swait.ge [sflag:s14], $0x50  }
0x1b: {  	[sflag:s14] =	ssyncset.done $0x0  }
0x1c: {  	s23 =	sadd.s32 s7, s23;
	[sflag:s14] =	ssyncadd.s32 $0xFFFFFFB0  }
0x1d: {  	[tilespmem:s15], [sflag:$0x2] =	stream.linear.gather [hbm4b:s23+s4], $0x50, $0x38;
	[tilespmem:$0x19100] =	vst v63  }
0x1e: {  	_ =	swait.ge [sflag:s14], $0x50  }
0x1f: {  	s22 =	sshll.u32 s22, $0x4;
	[sflag:s14] =	ssyncset.done $0x0  }
0x20: {  	s22 =	sadd.s32 s5, s22;
	[sflag:s14] =	ssyncadd.s32 $0xFFFFFFB0  }
0x21: {  	[tilespmem:s16], [sflag:$0x2] =	stream.linear.gather [hbm4b:s22+s4], $0x2800, $0x38;
	[tilespmem:$0x19100] =	vst v63  }
0x22: {  	_ =	swait.ge [sflag:s14], $0x2800  }
0x23: {  	[sflag:s14] =	ssyncset.done $0x0  }
0x24: {  	[sflag:s14] =	ssyncadd.s32 $0xFFFFD800  }
0x25: {  	[tilespmem:s18], [sflag:$0x1] =	stream.indirect.gather [hbm4b:s1+s17], $0x80, s4, s17, $0xb8;
	[tilespmem:$0x19100] =	vst v63  }
0x26: {  	_ =	swait.ge [sflag:s19], $0x2800  }
0x27: {  	[sflag:s19] =	ssyncset.done $0x0  }
0x28: {  	s22 =	simm.s32 $0x180;
	[sflag:s19] =	ssyncadd.s32 $0xFFFFD800  }
0x29: {  	s23 =	simm.s32 $0x2980;
	v0 =	vld [tilespmem:s22+$0xFFFFFF80]  }
0x2a: {  	v1 =	vld [tilespmem:s23+$0xFFFFFF80];
	_ =	sdelay $0x4  }
0x2b: {  	v0 =	vadd.f32 v0, v1;
	_ =	sdelay $0x1  }
0x2c: {  	v0 =	vmax.f32 v0, $0.0e+00  }
0x2d: {  	[tilespmem:s22+$0xFFFFFF80] =	vst v0;
	v0 =	vld [tilespmem:s22+$0xFFFFFF90]  }
0x2e: {  	v1 =	vld [tilespmem:s23+$0xFFFFFF90];
	_ =	sdelay $0x4  }
0x2f: {  	v0 =	vadd.f32 v0, v1;
	_ =	sdelay $0x1  }
0x30: {  	v0 =	vmax.f32 v0, $0.0e+00  }
0x31: {  	[tilespmem:s22+$0xFFFFFF90] =	vst v0;
	v0 =	vld [tilespmem:s22+$0xFFFFFFA0]  }
0x32: {  	v1 =	vld [tilespmem:s23+$0xFFFFFFA0];
	_ =	sdelay $0x4  }
0x33: {  	v0 =	vadd.f32 v0, v1;
	_ =	sdelay $0x1  }
0x34: {  	v0 =	vmax.f32 v0, $0.0e+00  }
0x35: {  	[tilespmem:s22+$0xFFFFFFA0] =	vst v0;
	v0 =	vld [tilespmem:s22+$0xFFFFFFB0]  }
0x36: {  	v1 =	vld [tilespmem:s23+$0xFFFFFFB0];
	_ =	sdelay $0x4  }
0x37: {  	v0 =	vadd.f32 v0, v1;
	_ =	sdelay $0x1  }
0x38: {  	v0 =	vmax.f32 v0, $0.0e+00  }
0x39: {  	[tilespmem:s22+$0xFFFFFFB0] =	vst v0;
	v0 =	vld [tilespmem:s22+$0xFFFFFFC0]  }
0x3a: {  	v1 =	vld [tilespmem:s23+$0xFFFFFFC0];
	_ =	sdelay $0x4  }
0x3b: {  	v0 =	vadd.f32 v0, v1;
	_ =	sdelay $0x1  }
0x3c: {  	v0 =	vmax.f32 v0, $0.0e+00  }
0x3d: {  	[tilespmem:s22+$0xFFFFFFC0] =	vst v0;
	v0 =	vld [tilespmem:s22+$0xFFFFFFD0]  }
0x3e: {  	v1 =	vld [tilespmem:s23+$0xFFFFFFD0];
	_ =	sdelay $0x4  }
0x3f: {  	v0 =	vadd.f32 v0, v1;
	_ =	sdelay $0x1  }
0x40: {  	v0 =	vmax.f32 v0, $0.0e+00  }
0x41: {  	[tilespmem:s22+$0xFFFFFFD0] =	vst v0;
	v0 =	vld [tilespmem:s22+$0xFFFFFFE0]  }
0x42: {  	v1 =	vld [tilespmem:s23+$0xFFFFFFE0];
	_ =	sdelay $0x4  }
0x43: {  	v0 =	vadd.f32 v0, v1;
	_ =	sdelay $0x1  }
0x44: {  	v0 =	vmax.f32 v0, $0.0e+00  }
0x45: {  	[tilespmem:s22+$0xFFFFFFE0] =	vst v0;
	v0 =	vld [tilespmem:s22+$0xFFFFFFF0]  }
0x46: {  	v1 =	vld [tilespmem:s23+$0xFFFFFFF0];
	_ =	sdelay $0x4  }
0x47: {  	v0 =	vadd.f32 v0, v1;
	_ =	sdelay $0x1  }
0x48: {  	v0 =	vmax.f32 v0, $0.0e+00  }
0x49: {  	[tilespmem:s22+$0xFFFFFFF0] =	vst v0;
	v0 =	vld [tilespmem:s22+$0x0]  }
0x4a: {  	v1 =	vld [tilespmem:s23+$0x0];
	_ =	sdelay $0x4  }
0x4b: {  	v0 =	vadd.f32 v0, v1;
	_ =	sdelay $0x1  }
0x4c: {  	v0 =	vmax.f32 v0, $0.0e+00  }
0x4d: {  	[tilespmem:s22+$0x0] =	vst v0;
	v0 =	vld [tilespmem:s22+$0x10]  }
0x4e: {  	v1 =	vld [tilespmem:s23+$0x10];
	_ =	sdelay $0x4  }
0x4f: {  	v0 =	vadd.f32 v0, v1;
	_ =	sdelay $0x1  }
0x50: {  	v0 =	vmax.f32 v0, $0.0e+00  }
0x51: {  	[tilespmem:s22+$0x10] =	vst v0;
	v0 =	vld [tilespmem:s22+$0x20]  }
0x52: {  	v1 =	vld [tilespmem:s23+$0x20];
	_ =	sdelay $0x4  }
0x53: {  	v0 =	vadd.f32 v0, v1;
	_ =	sdelay $0x1  }
0x54: {  	v0 =	vmax.f32 v0, $0.0e+00  }
0x55: {  	[tilespmem:s22+$0x20] =	vst v0;
	v0 =	vld [tilespmem:s22+$0x30]  }
0x56: {  	v1 =	vld [tilespmem:s23+$0x30];
	_ =	sdelay $0x4  }
0x57: {  	v0 =	vadd.f32 v0, v1;
	_ =	sdelay $0x1  }
0x58: {  	v0 =	vmax.f32 v0, $0.0e+00  }
0x59: {  	[tilespmem:s22+$0x30] =	vst v0;
	v0 =	vld [tilespmem:s22+$0x40]  }
0x5a: {  	v1 =	vld [tilespmem:s23+$0x40];
	_ =	sdelay $0x4  }
0x5b: {  	v0 =	vadd.f32 v0, v1;
	_ =	sdelay $0x1  }
0x5c: {  	v0 =	vmax.f32 v0, $0.0e+00  }
0x5d: {  	[tilespmem:s22+$0x40] =	vst v0;
	v0 =	vld [tilespmem:s22+$0x50]  }
0x5e: {  	v1 =	vld [tilespmem:s23+$0x50];
	_ =	sdelay $0x4  }
0x5f: {  	v0 =	vadd.f32 v0, v1;
	_ =	sdelay $0x1  }
0x60: {  	v0 =	vmax.f32 v0, $0.0e+00  }
0x61: {  	[tilespmem:s22+$0x50] =	vst v0;
	v0 =	vld [tilespmem:s22+$0x60]  }
0x62: {  	v1 =	vld [tilespmem:s23+$0x60];
	_ =	sdelay $0x4  }
0x63: {  	v0 =	vadd.f32 v0, v1;
	_ =	sdelay $0x1  }
0x64: {  	v0 =	vmax.f32 v0, $0.0e+00  }
0x65: {  	[tilespmem:s22+$0x60] =	vst v0;
	v0 =	vld [tilespmem:s22+$0x70]  }
0x66: {  	v1 =	vld [tilespmem:s23+$0x70];
	_ =	sdelay $0x4  }
0x67: {  	v0 =	vadd.f32 v0, v1;
	_ =	sdelay $0x1  }
0x68: {  	s25 =	simm.s32 $0x280;
	s24 =	simm.s32 $0x0;
	v0 =	vmax.f32 v0, $0.0e+00  }
.LBB2_3:
0x69: {  	v1 =	vld [tilespmem:s25+$0xFFFFFF80];
	[tilespmem:s22+$0x70] =	vst v0;
	s23 =	sadd.s32 $0x100, s23;
	s22 =	smov.u32 s25  }
0x6a: {  	s24 =	sadd.s32 $0x2, s24;
	v0 =	vld [tilespmem:s23+$0xFFFFFF80]  }
0x6b: {  	p0 =	slt.u32 s24, $0x4E;
	_ =	sdelay $0x3  }
0x6c: {  	v0 =	vadd.f32 v1, v0;
	_ =	sdelay $0x1  }
0x6d: {  	v0 =	vmax.f32 v0, $0.0e+00  }
0x6e: {  	[tilespmem:s25+$0xFFFFFF80] =	vst v0;
	v0 =	vld [tilespmem:s25+$0xFFFFFF90]  }
0x6f: {  	v1 =	vld [tilespmem:s23+$0xFFFFFF90];
	_ =	sdelay $0x4  }
0x70: {  	v0 =	vadd.f32 v0, v1;
	_ =	sdelay $0x1  }
0x71: {  	v0 =	vmax.f32 v0, $0.0e+00  }
0x72: {  	[tilespmem:s25+$0xFFFFFF90] =	vst v0;
	v0 =	vld [tilespmem:s25+$0xFFFFFFA0]  }
0x73: {  	v1 =	vld [tilespmem:s23+$0xFFFFFFA0];
	_ =	sdelay $0x4  }
0x74: {  	v0 =	vadd.f32 v0, v1;
	_ =	sdelay $0x1  }
0x75: {  	v0 =	vmax.f32 v0, $0.0e+00  }
0x76: {  	[tilespmem:s25+$0xFFFFFFA0] =	vst v0;
	v0 =	vld [tilespmem:s25+$0xFFFFFFB0]  }
0x77: {  	v1 =	vld [tilespmem:s23+$0xFFFFFFB0];
	_ =	sdelay $0x4  }
0x78: {  	v0 =	vadd.f32 v0, v1;
	_ =	sdelay $0x1  }
0x79: {  	v0 =	vmax.f32 v0, $0.0e+00  }
0x7a: {  	[tilespmem:s25+$0xFFFFFFB0] =	vst v0;
	v0 =	vld [tilespmem:s25+$0xFFFFFFC0]  }
0x7b: {  	v1 =	vld [tilespmem:s23+$0xFFFFFFC0];
	_ =	sdelay $0x4  }
0x7c: {  	v0 =	vadd.f32 v0, v1;
	_ =	sdelay $0x1  }
0x7d: {  	v0 =	vmax.f32 v0, $0.0e+00  }
0x7e: {  	[tilespmem:s25+$0xFFFFFFC0] =	vst v0;
	v0 =	vld [tilespmem:s25+$0xFFFFFFD0]  }
0x7f: {  	v1 =	vld [tilespmem:s23+$0xFFFFFFD0];
	_ =	sdelay $0x4  }
0x80: {  	v0 =	vadd.f32 v0, v1;
	_ =	sdelay $0x1  }
0x81: {  	v0 =	vmax.f32 v0, $0.0e+00  }
0x82: {  	[tilespmem:s25+$0xFFFFFFD0] =	vst v0;
	v0 =	vld [tilespmem:s25+$0xFFFFFFE0]  }
0x83: {  	v1 =	vld [tilespmem:s23+$0xFFFFFFE0];
	_ =	sdelay $0x4  }
0x84: {  	v0 =	vadd.f32 v0, v1;
	_ =	sdelay $0x1  }
0x85: {  	v0 =	vmax.f32 v0, $0.0e+00  }
0x86: {  	[tilespmem:s25+$0xFFFFFFE0] =	vst v0;
	v0 =	vld [tilespmem:s25+$0xFFFFFFF0]  }
0x87: {  	v1 =	vld [tilespmem:s23+$0xFFFFFFF0];
	_ =	sdelay $0x4  }
0x88: {  	v0 =	vadd.f32 v0, v1;
	_ =	sdelay $0x1  }
0x89: {  	v0 =	vmax.f32 v0, $0.0e+00  }
0x8a: {  	[tilespmem:s25+$0xFFFFFFF0] =	vst v0;
	v0 =	vld [tilespmem:s25+$0x0]  }
0x8b: {  	v1 =	vld [tilespmem:s23+$0x0];
	_ =	sdelay $0x4  }
0x8c: {  	v0 =	vadd.f32 v0, v1;
	_ =	sdelay $0x1  }
0x8d: {  	v0 =	vmax.f32 v0, $0.0e+00  }
0x8e: {  	[tilespmem:s25+$0x0] =	vst v0;
	v0 =	vld [tilespmem:s25+$0x10]  }
0x8f: {  	v1 =	vld [tilespmem:s23+$0x10];
	_ =	sdelay $0x4  }
0x90: {  	v0 =	vadd.f32 v0, v1;
	_ =	sdelay $0x1  }
0x91: {  	v0 =	vmax.f32 v0, $0.0e+00  }
0x92: {  	[tilespmem:s25+$0x10] =	vst v0;
	v0 =	vld [tilespmem:s25+$0x20]  }
0x93: {  	v1 =	vld [tilespmem:s23+$0x20];
	_ =	sdelay $0x4  }
0x94: {  	v0 =	vadd.f32 v0, v1;
	_ =	sdelay $0x1  }
0x95: {  	v0 =	vmax.f32 v0, $0.0e+00  }
0x96: {  	[tilespmem:s25+$0x20] =	vst v0;
	v0 =	vld [tilespmem:s25+$0x30]  }
0x97: {  	v1 =	vld [tilespmem:s23+$0x30];
	_ =	sdelay $0x4  }
0x98: {  	v0 =	vadd.f32 v0, v1;
	_ =	sdelay $0x1  }
0x99: {  	v0 =	vmax.f32 v0, $0.0e+00  }
0x9a: {  	[tilespmem:s25+$0x30] =	vst v0;
	v0 =	vld [tilespmem:s25+$0x40]  }
0x9b: {  	v1 =	vld [tilespmem:s23+$0x40];
	_ =	sdelay $0x4  }
0x9c: {  	v0 =	vadd.f32 v0, v1;
	_ =	sdelay $0x1  }
0x9d: {  	v0 =	vmax.f32 v0, $0.0e+00  }
0x9e: {  	[tilespmem:s25+$0x40] =	vst v0;
	v0 =	vld [tilespmem:s25+$0x50]  }
0x9f: {  	v1 =	vld [tilespmem:s23+$0x50];
	_ =	sdelay $0x4  }
0xa0: {  	v0 =	vadd.f32 v0, v1;
	_ =	sdelay $0x1  }
0xa1: {  	v0 =	vmax.f32 v0, $0.0e+00  }
0xa2: {  	[tilespmem:s25+$0x50] =	vst v0;
	v0 =	vld [tilespmem:s25+$0x60]  }
0xa3: {  	v1 =	vld [tilespmem:s23+$0x60];
	_ =	sdelay $0x4  }
0xa4: {  	v0 =	vadd.f32 v0, v1;
	_ =	sdelay $0x1  }
0xa5: {  	v0 =	vmax.f32 v0, $0.0e+00  }
0xa6: {  	[tilespmem:s25+$0x60] =	vst v0;
	v0 =	vld [tilespmem:s25+$0x70]  }
0xa7: {  	v1 =	vld [tilespmem:s23+$0x70];
	_ =	sdelay $0x2  }
.Ltmp0:
0xa8: {  	(pc) =	sbr.rel @p0 .LBB2_3-.Ltmp0, $3  }
0xa9: {  	_ = 	snop  }
0xaa: {  	v0 =	vadd.f32 v0, v1;
	_ =	sdelay $0x1  }
0xab: {  	s25 =	sadd.s32 $0x100, s25;
	v0 =	vmax.f32 v0, $0.0e+00  }
0xac: {  	s21 =	sadd.s32 $0x1, s21  }
0xad: {  	p0 =	sne.s32 s21, $0x7D  }
.Ltmp1:
0xae: {  	[tilespmem:s22+$0x70] =	vst v0;
	(pc) =	sbr.rel @p0 .LBB2_2-.Ltmp1, $4  }
0xaf: {  	[spmem:s2] =	stream.indirect.scatter.add.f32 [tilespmem:s16], [sflag:$0x2], $0x80, s15, s17, $0xb8;
	[tilespmem:$0x19100] =	vst v63  }
0xb0: {  	_ =	swait.ge [sflag:s14], $0x2800  }
0xb1: {  	[sflag:s14] =	ssyncset.done $0x0  }
0xb2: {  	[sflag:s14] =	ssyncadd.s32 $0xFFFFD800  }
0xb3: {  	s20 =	sadd.s32 $0x1, s20  }
0xb4: {  	p0 =	sne.s32 s20, s12  }
.Ltmp2:
0xb5: {  	[bflag:$0x0] =	sbarrier.arrive $0xFFFF;
	(pc) =	sbr.rel @p0 .LBB2_1-.Ltmp2, $4  }
0xb6: {  	[hbm:s11], [sflag:s9] =	dma.local [spmem:s13], $0x2800  }
0xb7: {  	_ =	swait.ge [sflag:s14], $0x2800  }
0xb8: {  	[sflag:s14] =	ssyncset.done $0x0  }
0xb9: {  	[sflag:s14] =	ssyncadd.s32 $0xFFFFD800  }
0xba: {  	_ =	sfence.sel $0x180000  }
0xbb: {  	[bflag:$0x0] =	sbarrier.arrive $0xFFFF  }
0xbc: {  	p0 =	sne.s32 s3, $0x0;
	_ =	strace $0x9000004D  }
0xbd: {  	s0 =	sadd.s32 @!p0 $0x100000, s0;
	[bflag:$0x2] =	sbarrier.arrive $0xFFFF  }
0xbe: {  	[sflag:s0] =	ssyncadd.tile.s32 @!p0 $0x1;
	_ =	shalt  }
.Lfunc_end2:
_tile_overlayer_lowered:
.L_overlay_start_2:
0xbf: {  	(tag) =	ssettag $0x2  }
0xc0: {  	s0 =	rddreg [dreg:$0x0];
	s2 =	stileid.u32  }
0xc1: {  	s1 =	rddreg [dreg:$0x1];
	p0 =	sne.s32 s2, $0x0  }
0xc2: {  	s3 =	rddreg [dreg:$0x2];
	[bflag:$0x3] =	sbarrier.arrive $0xFFFF;
	s2 =	simm.s32 @!p0 $0x1C02  }
0xc3: {  	[timem:s3], [sflag:s2] =	dma.local @!p0 [hbm:s0], s1  }
0xc4: {  	s0 =	simm.s32 @!p0 $0x2  }
0xc5: {  	_ =	swait.ge @!p0 [sflag:s0], s1  }
0xc6: {  	s1 =	ssub.s32 @!p0 $0x0, s1;
	[sflag:s0] =	ssyncset.done @!p0 $0x0  }
0xc7: {  	[sflag:s0] =	ssyncadd.s32 @!p0 s1  }
0xc8: {  	[bflag:$0x3] =	sbarrier.arrive $0xFFFF  }
0xc9: {  	_ =	shalt  }

</sc_bundles>
